<compile_context>
chip_gen: v7x
topology: tpu7x:2x2x1
jax: 0.10.2.dev20260603
libtpu: 0.0.44.dev20260713+nightly
codegen_flags: <defaults>
</compile_context>

<pallas_src>
import functools

import jax
import jax.numpy as jnp
from jax import lax
from jax.experimental import pallas as pl
from jax.experimental.pallas import tpu as pltpu
from jax.experimental.pallas import tpu_sc as plsc

NEG_POS_RATIO = 3



def _cls_kernel(cls_ref, tgt_ref, out_ref, bg_scr, facc, iacc, *, nb, bn, n, c):
    b = pl.program_id(0)
    j = pl.program_id(1)

    x = cls_ref[0]
    tgt = tgt_ref[0, 0, :]
    pos = tgt != 0

    m = jnp.max(x, axis=0)
    e = jnp.exp(x - m[None, :])
    lse = m + jnp.log(jnp.sum(e, axis=0))
    cls_iota = lax.broadcasted_iota(jnp.int32, (c, bn), 0)
    sel = (cls_iota == tgt[None, :]) & (cls_iota != 0)
    x_tgt_sum = jnp.sum(jnp.where(sel, x, 0.0))
    lse_pos = jnp.sum(jnp.where(pos, lse, 0.0))
    clsp_c = lse_pos - x_tgt_sum
    bg = lse - x[0, :]
    bg_scr[j, :] = jnp.where(pos, -1.0, bg)
    np_c = jnp.sum(pos.astype(jnp.int32))

    @pl.when((b == 0) & (j == 0))
    def _():
        facc[1] = 0.0

    @pl.when(j == 0)
    def _():
        facc[0] = clsp_c
        iacc[0] = np_c

    @pl.when(j > 0)
    def _():
        facc[0] += clsp_c
        iacc[0] += np_c

    @pl.when(j == nb - 1)
    def _():
        num_pos = iacc[0]
        cls_pos = facc[0]
        k = jnp.minimum(NEG_POS_RATIO * num_pos, n - num_pos)

        bgv = bg_scr[:, :]
        bits = lax.bitcast_convert_type(bgv, jnp.int32)

        def search(i, t):
            cand = t | lax.shift_left(jnp.int32(1), 30 - i)
            cnt = jnp.sum((bits >= cand).astype(jnp.int32))
            return jnp.where(cnt >= k, cand, t)

        t = lax.fori_loop(0, 31, search, jnp.int32(0))
        kth = lax.bitcast_convert_type(t, jnp.float32)
        gt = bgv > kth
        sum_gt = jnp.sum(jnp.where(gt, bgv, 0.0))
        cnt_gt = jnp.sum(gt.astype(jnp.int32))
        cls_neg = sum_gt + (k - cnt_gt).astype(jnp.float32) * kth
        cls_neg = jnp.where(k > 0, cls_neg, 0.0)

        denom = jnp.maximum(num_pos, 1).astype(jnp.float32)
        facc[1] += jnp.where(num_pos > 0, (cls_pos + cls_neg) / denom, 0.0)

    @pl.when((b == pl.num_programs(0) - 1) & (j == nb - 1))
    def _():
        out_ref[0, 0] = facc[1]


def _tc_cls_loss(cls_t, cls_targets):
    b, c, n = cls_t.shape
    bn = 2048 if n % 2048 == 0 else n
    nb = n // bn
    tgt3 = cls_targets.reshape(b * nb, 1, bn)
    out = pl.pallas_call(
        functools.partial(_cls_kernel, nb=nb, bn=bn, n=n, c=c),
        grid=(b, nb),
        in_specs=[
            pl.BlockSpec((1, c, bn), lambda bi, ji: (bi, 0, ji)),
            pl.BlockSpec((1, 1, bn), lambda bi, ji: (bi * nb + ji, 0, 0)),
        ],
        out_specs=pl.BlockSpec(memory_space=pltpu.SMEM),
        out_shape=jax.ShapeDtypeStruct((1, 1), jnp.float32),
        scratch_shapes=[
            pltpu.VMEM((nb, bn), jnp.float32),
            pltpu.SMEM((2,), jnp.float32),
            pltpu.SMEM((1,), jnp.int32),
        ],
    )(cls_t, tgt3)
    return out.reshape(())



def _make_sc_loc(b, n):
    info = plsc.get_sparse_core_info()
    nc, ns = info.num_cores, info.num_subcores
    nw = nc * ns
    assert nw == 2 * b
    n2 = n // 2
    nv = n2 * 4
    mesh = plsc.VectorSubcoreMesh(core_axis_name="c", subcore_axis_name="s")

    @functools.partial(
        pl.kernel, mesh=mesh,
        out_type=jax.ShapeDtypeStruct((nw, 2, 16), jnp.float32),
        scratch_types=[
            pltpu.VMEM((4, n2), jnp.float32),
            pltpu.VMEM((4, n2), jnp.float32),
            pltpu.VMEM((n2,), jnp.int32),
            pltpu.VMEM((2, 16), jnp.float32),
        ],
    )
    def sc_loc(locp_hbm, loct_hbm, tgt_hbm, out_hbm, lp_v, lt_v, tg_v, o_v):
        wid = lax.axis_index("s") * nc + lax.axis_index("c")
        batch = wid // 2
        half = wid % 2
        off = batch * n + half * n2
        for cc in range(4):
            pltpu.sync_copy(locp_hbm.at[pl.ds(cc * (b * n) + off, n2)],
                            lp_v.at[cc])
            pltpu.sync_copy(loct_hbm.at[pl.ds(cc * (b * n) + off, n2)],
                            lt_v.at[cc])
        pltpu.sync_copy(tgt_hbm.at[pl.ds(off, n2)], tg_v)

        def body(g, carry):
            acc, cnt = carry
            tv = tg_v[pl.ds(g * 16, 16)]
            m = tv != 0
            cnt = cnt + jnp.where(m, 1, 0)
            for cc in range(4):
                d = lp_v[cc, pl.ds(g * 16, 16)] - lt_v[cc, pl.ds(g * 16, 16)]
                ad = jnp.abs(d)
                sl1 = jnp.where(ad < 1.0, 0.5 * d * d, ad - 0.5)
                acc = acc + jnp.where(m, sl1, 0.0)
            return acc, cnt

        acc, cnt = lax.fori_loop(
            0, n2 // 16, body,
            (jnp.zeros((16,), jnp.float32), jnp.zeros((16,), jnp.int32)))
        o_v[0, :] = acc
        o_v[1, :] = cnt.astype(jnp.float32)
        pltpu.sync_copy(o_v, out_hbm.at[wid])

    return sc_loc



@jax.jit
def kernel(loc_preds, cls_preds, loc_targets, cls_targets):
    b, n, _ = cls_preds.shape

    sc_loc = _make_sc_loc(b, n)
    sc_out = sc_loc(jnp.transpose(loc_preds, (2, 0, 1)).reshape(-1),
                    jnp.transpose(loc_targets, (2, 0, 1)).reshape(-1),
                    cls_targets.reshape(-1))

    cls_loss = _tc_cls_loss(jnp.transpose(cls_preds, (0, 2, 1)), cls_targets)

    loc_b = sc_out[:, 0, :].reshape(b, 2, 16).sum(axis=(1, 2))
    np_b = sc_out[:, 1, :].reshape(b, 2, 16).sum(axis=(1, 2))
    loc_loss = jnp.sum(
        jnp.where(np_b > 0, loc_b / jnp.maximum(np_b, 1.0), 0.0))
    return cls_loss + loc_loss

# --- scband reference (transcript-rebuilt; emitter-appended) ---
"""Pipeline reference for scband-multi-box-loss-24343874634295 (READ-ONLY COPY).

The authoritative reference and input builder live on the scoring server;
editing this copy changes nothing except your own understanding.
"""

import jax, jax.numpy as jnp
import numpy as np

NEG_POS_RATIO = 3
B, N, C = 16, 24576, 81

def setup_inputs(seed: int = 0):
    key = jax.random.key(seed)
    k1, k2, k3, k4 = jax.random.split(key, 4)
    return {
        'loc_preds': jax.random.normal(k1, (B, N, 4), dtype=jnp.float32),
        'cls_preds': jax.random.normal(k2, (B, N, C), dtype=jnp.float32),
        'loc_targets': jax.random.normal(k3, (B, N, 4), dtype=jnp.float32),
        'cls_targets': jax.random.randint(k4, (B, N), 0, C, dtype=jnp.int32),
    }

def _smooth_l1_sum(pred, target):
    d = pred - target
    ad = jnp.abs(d)
    return jnp.where(ad < 1.0, 0.5 * d * d, ad - 0.5).sum()

def _multibox_loss(loc_preds, cls_preds, loc_targets, cls_targets):
    cls_loss = jnp.float32(0.0)
    loc_loss = jnp.float32(0.0)
    n = loc_preds.shape[1]
    for i in range(loc_preds.shape[0]):
        cls_t = cls_targets[i]
        pos = cls_t != 0
        num_pos = pos.sum()
        loc_p = loc_preds[i]
        cls_p = cls_preds[i]
        loc_t = loc_targets[i]
        # smooth L1 on positive anchors, sum-reduced, normalized by num_pos
        d = loc_p - loc_t
        ad = jnp.abs(d)
        sl1 = jnp.where(ad < 1.0, 0.5 * d * d, ad - 0.5)
        loc_sum = jnp.where(pos[:, None], sl1, 0.0).sum()
        # cross-entropy (softmax) on positive anchors, sum-reduced
        logp = jax.nn.log_softmax(cls_p, axis=-1)
        tgt = cls_t.astype(jnp.int32)[:, None]
        per_anchor_nll = -jnp.take_along_axis(logp, tgt, axis=1)[:, 0]
        cls_loss_pos = jnp.where(pos, per_anchor_nll, 0.0).sum()
        # hard negative mining: top-k largest background NLL among negatives
        neg_nll = -logp[:, 0]
        neg_nll_masked = jnp.where(pos, -jnp.inf, neg_nll)
        sorted_vals = jax.lax.top_k(neg_nll_masked, n)[0]
        num_neg = jnp.minimum(NEG_POS_RATIO * num_pos, n - num_pos)
        cls_loss_neg = jnp.where(jnp.arange(n) < num_neg, sorted_vals, 0.0).sum()
        has_pos = num_pos > 0
        denom = jnp.maximum(num_pos, 1).astype(jnp.float32)
        loc_loss = loc_loss + jnp.where(has_pos, loc_sum / denom, 0.0)
        cls_loss = cls_loss + jnp.where(has_pos, (cls_loss_pos + cls_loss_neg) / denom, 0.0)
    return cls_loss + loc_loss

def reference(loc_preds, cls_preds, loc_targets, cls_targets):
    return _multibox_loss(loc_preds, cls_preds, loc_targets, cls_targets)

if __name__ == "__main__":
    import jax
    _d = setup_inputs()
    print(jax.jit(kernel)(*tuple(_d.values())))

</pallas_src>

<mosaic_0001>
#map = affine_map<(d0, d1) -> (0)>
#map1 = affine_map<(d0, d1) -> (0, 0, 0)>
module attributes {stable_mosaic.version = 14 : i64} {
  func.func @sc_loc(%arg0: i32, %arg1: i32, %arg2: memref<1572864xf32, #tpu.memory_space<hbm>>, %arg3: memref<1572864xf32, #tpu.memory_space<hbm>>, %arg4: memref<393216xi32, #tpu.memory_space<hbm>>, %arg5: memref<32x2x16xf32, #tpu.memory_space<hbm>>, %arg6: memref<4x12288xf32, #tpu.memory_space<vmem>>, %arg7: memref<4x12288xf32, #tpu.memory_space<vmem>>, %arg8: memref<12288xi32, #tpu.memory_space<vmem>>, %arg9: memref<2x16xf32, #tpu.memory_space<vmem>>) attributes {dimension_semantics = [#tpu.dimension_semantics<core_parallel>, #tpu.dimension_semantics<subcore_parallel>], iteration_bounds = array<i64: 2, 16>, scalar_prefetch = 0 : i64, scratch_operands = 4 : i64, tpu.core_type = #tpu.core_type<sc_vector_subcore>, window_params = [{transform_indices = #map}, {transform_indices = #map}, {transform_indices = #map}, {transform_indices = #map1}]} {
    %mul3A = arith.constant 2 : i32
    %mul3A_0 = arith.muli %arg1, %mul3A : i32
    %add3A = arith.addi %mul3A_0, %arg0 : i32
    %jit3A = arith.constant 2 : i32
    %div3A = arith.divsi %add3A, %jit3A : i32
    %sign3A = arith.constant 0 : i32
    %sign3A_1 = arith.cmpi sgt, %add3A, %sign3A : i32
    %sign3A_2 = arith.extui %sign3A_1 : i1 to i32
    %sign3A_3 = arith.constant 0 : i32
    %sign3A_4 = arith.cmpi slt, %add3A, %sign3A_3 : i32
    %sign3A_5 = arith.extui %sign3A_4 : i1 to i32
    %sign3A_6 = arith.subi %sign3A_2, %sign3A_5 : i32
    %sign3A_7 = arith.constant 0 : i32
    %sign3A_8 = arith.cmpi sgt, %jit3A, %sign3A_7 : i32
    %sign3A_9 = arith.extui %sign3A_8 : i1 to i32
    %sign3A_10 = arith.constant 0 : i32
    %sign3A_11 = arith.cmpi slt, %jit3A, %sign3A_10 : i32
    %sign3A_12 = arith.extui %sign3A_11 : i1 to i32
    %sign3A_13 = arith.subi %sign3A_9, %sign3A_12 : i32
    %ne3A = arith.cmpi ne, %sign3A_6, %sign3A_13 : i32
    %rem3A = arith.remsi %add3A, %jit3A : i32
    %ne3A_14 = arith.constant 0 : i32
    %ne3A_15 = arith.cmpi ne, %rem3A, %ne3A_14 : i32
    %and3A = arith.andi %ne3A, %ne3A_15 : i1
    %sub3A = arith.constant 1 : i32
    %sub3A_16 = arith.subi %div3A, %sub3A : i32
    %select_n3A = arith.select %and3A, %sub3A_16, %div3A : i32
    %jit3A_17 = arith.constant 2 : i32
    %eq3A = arith.constant 0 : i32
    %eq3A_18 = arith.cmpi eq, %jit3A_17, %eq3A : i32
    %jit3A_19 = arith.constant 1 : i32
    %select_n3A_20 = arith.select %eq3A_18, %jit3A_19, %jit3A_17 : i32
    %rem3A_21 = arith.remsi %add3A, %select_n3A_20 : i32
    %ne3A_22 = arith.constant 0 : i32
    %ne3A_23 = arith.cmpi ne, %rem3A_21, %ne3A_22 : i32
    %lt3A = arith.constant 0 : i32
    %lt3A_24 = arith.cmpi slt, %rem3A_21, %lt3A : i32
    %lt3A_25 = arith.constant 0 : i32
    %lt3A_26 = arith.cmpi slt, %select_n3A_20, %lt3A_25 : i32
    %ne3A_27 = arith.xori %lt3A_24, %lt3A_26 : i1
    %and3A_28 = arith.andi %ne3A_27, %ne3A_23 : i1
    %add3A_29 = arith.addi %rem3A_21, %select_n3A_20 : i32
    %select_n3A_30 = arith.select %and3A_28, %add3A_29, %rem3A_21 : i32
    %mul3A_31 = arith.constant 24576 : i32
    %mul3A_32 = arith.muli %select_n3A, %mul3A_31 : i32
    %mul3A_33 = arith.constant 12288 : i32
    %mul3A_34 = arith.muli %select_n3A_30, %mul3A_33 : i32
    %add3A_35 = arith.addi %mul3A_32, %mul3A_34 : i32
    %add3A_36 = arith.constant 0 : i32
    %add3A_37 = arith.addi %add3A_36, %add3A_35 : i32
    %run_scoped3A = arith.constant 0 : i32
    "tpu.region"() ({
      %run_scoped3A_78 = tpu.sem_alloc : memref<!tpu.dma_semaphore, #tpu.memory_space<semaphore_mem>>
      %dma_start3A = arith.constant 0 : i32
      %dma_start3A_79 = tpu.memref_slice %arg6[%run_scoped3A, %dma_start3A] : memref<4x12288xf32, #tpu.memory_space<vmem>> -> memref<1x12288xf32, #tpu.memory_space<vmem>>
      %dma_start3A_80 = tpu.memref_squeeze %dma_start3A_79 : memref<1x12288xf32, #tpu.memory_space<vmem>> -> memref<12288xf32, #tpu.memory_space<vmem>>
      %dma_start3A_81 = tpu.memref_slice %arg2[%add3A_37] : memref<1572864xf32, #tpu.memory_space<hbm>> -> memref<12288xf32, #tpu.memory_space<hbm>>
      %dma_start3A_82 = arith.constant 0 : i32
      %dma_start3A_83 = tpu.memref_slice %arg6[%run_scoped3A, %dma_start3A_82] : memref<4x12288xf32, #tpu.memory_space<vmem>> -> memref<1x12288xf32, #tpu.memory_space<vmem>>
      %dma_start3A_84 = tpu.memref_squeeze %dma_start3A_83 : memref<1x12288xf32, #tpu.memory_space<vmem>> -> memref<12288xf32, #tpu.memory_space<vmem>>
      %dma_start3A_85 = tpu.memref_slice %arg2[%add3A_37] : memref<1572864xf32, #tpu.memory_space<hbm>> -> memref<12288xf32, #tpu.memory_space<hbm>>
      tpu.enqueue_dma source(%dma_start3A_85 : memref<12288xf32, #tpu.memory_space<hbm>>) target(%dma_start3A_84 : memref<12288xf32, #tpu.memory_space<vmem>>) target_semaphore(%run_scoped3A_78 : memref<!tpu.dma_semaphore, #tpu.memory_space<semaphore_mem>>)
      %dma_wait3A = arith.constant 0 : i32
      %dma_wait3A_86 = tpu.memref_slice %arg6[%run_scoped3A, %dma_wait3A] : memref<4x12288xf32, #tpu.memory_space<vmem>> -> memref<1x12288xf32, #tpu.memory_space<vmem>>
      %dma_wait3A_87 = tpu.memref_squeeze %dma_wait3A_86 : memref<1x12288xf32, #tpu.memory_space<vmem>> -> memref<12288xf32, #tpu.memory_space<vmem>>
      %dma_wait3A_88 = tpu.memref_slice %arg2[%add3A_37] : memref<1572864xf32, #tpu.memory_space<hbm>> -> memref<12288xf32, #tpu.memory_space<hbm>>
      %dma_wait3A_89 = arith.constant 0 : i32
      %dma_wait3A_90 = tpu.memref_slice %arg6[%run_scoped3A, %dma_wait3A_89] : memref<4x12288xf32, #tpu.memory_space<vmem>> -> memref<1x12288xf32, #tpu.memory_space<vmem>>
      %dma_wait3A_91 = tpu.memref_squeeze %dma_wait3A_90 : memref<1x12288xf32, #tpu.memory_space<vmem>> -> memref<12288xf32, #tpu.memory_space<vmem>>
      %dma_wait3A_92 = tpu.memref_slice %arg2[%add3A_37] : memref<1572864xf32, #tpu.memory_space<hbm>> -> memref<12288xf32, #tpu.memory_space<hbm>>
      tpu.wait_dma2 semaphore(%run_scoped3A_78 : memref<!tpu.dma_semaphore, #tpu.memory_space<semaphore_mem>>) src(%dma_wait3A_92 : memref<12288xf32, #tpu.memory_space<hbm>>) dst(%dma_wait3A_91 : memref<12288xf32, #tpu.memory_space<vmem>>)
      tpu.yield
    }) : () -> ()
    %add3A_38 = arith.constant 0 : i32
    %add3A_39 = arith.addi %add3A_38, %add3A_35 : i32
    %run_scoped3A_40 = arith.constant 0 : i32
    "tpu.region"() ({
      %run_scoped3A_78 = tpu.sem_alloc : memref<!tpu.dma_semaphore, #tpu.memory_space<semaphore_mem>>
      %dma_start3A = arith.constant 0 : i32
      %dma_start3A_79 = tpu.memref_slice %arg7[%run_scoped3A_40, %dma_start3A] : memref<4x12288xf32, #tpu.memory_space<vmem>> -> memref<1x12288xf32, #tpu.memory_space<vmem>>
      %dma_start3A_80 = tpu.memref_squeeze %dma_start3A_79 : memref<1x12288xf32, #tpu.memory_space<vmem>> -> memref<12288xf32, #tpu.memory_space<vmem>>
      %dma_start3A_81 = tpu.memref_slice %arg3[%add3A_39] : memref<1572864xf32, #tpu.memory_space<hbm>> -> memref<12288xf32, #tpu.memory_space<hbm>>
      %dma_start3A_82 = arith.constant 0 : i32
      %dma_start3A_83 = tpu.memref_slice %arg7[%run_scoped3A_40, %dma_start3A_82] : memref<4x12288xf32, #tpu.memory_space<vmem>> -> memref<1x12288xf32, #tpu.memory_space<vmem>>
      %dma_start3A_84 = tpu.memref_squeeze %dma_start3A_83 : memref<1x12288xf32, #tpu.memory_space<vmem>> -> memref<12288xf32, #tpu.memory_space<vmem>>
      %dma_start3A_85 = tpu.memref_slice %arg3[%add3A_39] : memref<1572864xf32, #tpu.memory_space<hbm>> -> memref<12288xf32, #tpu.memory_space<hbm>>
      tpu.enqueue_dma source(%dma_start3A_85 : memref<12288xf32, #tpu.memory_space<hbm>>) target(%dma_start3A_84 : memref<12288xf32, #tpu.memory_space<vmem>>) target_semaphore(%run_scoped3A_78 : memref<!tpu.dma_semaphore, #tpu.memory_space<semaphore_mem>>)
      %dma_wait3A = arith.constant 0 : i32
      %dma_wait3A_86 = tpu.memref_slice %arg7[%run_scoped3A_40, %dma_wait3A] : memref<4x12288xf32, #tpu.memory_space<vmem>> -> memref<1x12288xf32, #tpu.memory_space<vmem>>
      %dma_wait3A_87 = tpu.memref_squeeze %dma_wait3A_86 : memref<1x12288xf32, #tpu.memory_space<vmem>> -> memref<12288xf32, #tpu.memory_space<vmem>>
      %dma_wait3A_88 = tpu.memref_slice %arg3[%add3A_39] : memref<1572864xf32, #tpu.memory_space<hbm>> -> memref<12288xf32, #tpu.memory_space<hbm>>
      %dma_wait3A_89 = arith.constant 0 : i32
      %dma_wait3A_90 = tpu.memref_slice %arg7[%run_scoped3A_40, %dma_wait3A_89] : memref<4x12288xf32, #tpu.memory_space<vmem>> -> memref<1x12288xf32, #tpu.memory_space<vmem>>
      %dma_wait3A_91 = tpu.memref_squeeze %dma_wait3A_90 : memref<1x12288xf32, #tpu.memory_space<vmem>> -> memref<12288xf32, #tpu.memory_space<vmem>>
      %dma_wait3A_92 = tpu.memref_slice %arg3[%add3A_39] : memref<1572864xf32, #tpu.memory_space<hbm>> -> memref<12288xf32, #tpu.memory_space<hbm>>
      tpu.wait_dma2 semaphore(%run_scoped3A_78 : memref<!tpu.dma_semaphore, #tpu.memory_space<semaphore_mem>>) src(%dma_wait3A_92 : memref<12288xf32, #tpu.memory_space<hbm>>) dst(%dma_wait3A_91 : memref<12288xf32, #tpu.memory_space<vmem>>)
      tpu.yield
    }) : () -> ()
    %add3A_41 = arith.constant 393216 : i32
    %add3A_42 = arith.addi %add3A_41, %add3A_35 : i32
    %run_scoped3A_43 = arith.constant 1 : i32
    "tpu.region"() ({
      %run_scoped3A_78 = tpu.sem_alloc : memref<!tpu.dma_semaphore, #tpu.memory_space<semaphore_mem>>
      %dma_start3A = arith.constant 0 : i32
      %dma_start3A_79 = tpu.memref_slice %arg6[%run_scoped3A_43, %dma_start3A] : memref<4x12288xf32, #tpu.memory_space<vmem>> -> memref<1x12288xf32, #tpu.memory_space<vmem>>
      %dma_start3A_80 = tpu.memref_squeeze %dma_start3A_79 : memref<1x12288xf32, #tpu.memory_space<vmem>> -> memref<12288xf32, #tpu.memory_space<vmem>>
      %dma_start3A_81 = tpu.memref_slice %arg2[%add3A_42] : memref<1572864xf32, #tpu.memory_space<hbm>> -> memref<12288xf32, #tpu.memory_space<hbm>>
      %dma_start3A_82 = arith.constant 0 : i32
      %dma_start3A_83 = tpu.memref_slice %arg6[%run_scoped3A_43, %dma_start3A_82] : memref<4x12288xf32, #tpu.memory_space<vmem>> -> memref<1x12288xf32, #tpu.memory_space<vmem>>
      %dma_start3A_84 = tpu.memref_squeeze %dma_start3A_83 : memref<1x12288xf32, #tpu.memory_space<vmem>> -> memref<12288xf32, #tpu.memory_space<vmem>>
      %dma_start3A_85 = tpu.memref_slice %arg2[%add3A_42] : memref<1572864xf32, #tpu.memory_space<hbm>> -> memref<12288xf32, #tpu.memory_space<hbm>>
      tpu.enqueue_dma source(%dma_start3A_85 : memref<12288xf32, #tpu.memory_space<hbm>>) target(%dma_start3A_84 : memref<12288xf32, #tpu.memory_space<vmem>>) target_semaphore(%run_scoped3A_78 : memref<!tpu.dma_semaphore, #tpu.memory_space<semaphore_mem>>)
      %dma_wait3A = arith.constant 0 : i32
      %dma_wait3A_86 = tpu.memref_slice %arg6[%run_scoped3A_43, %dma_wait3A] : memref<4x12288xf32, #tpu.memory_space<vmem>> -> memref<1x12288xf32, #tpu.memory_space<vmem>>
      %dma_wait3A_87 = tpu.memref_squeeze %dma_wait3A_86 : memref<1x12288xf32, #tpu.memory_space<vmem>> -> memref<12288xf32, #tpu.memory_space<vmem>>
      %dma_wait3A_88 = tpu.memref_slice %arg2[%add3A_42] : memref<1572864xf32, #tpu.memory_space<hbm>> -> memref<12288xf32, #tpu.memory_space<hbm>>
      %dma_wait3A_89 = arith.constant 0 : i32
      %dma_wait3A_90 = tpu.memref_slice %arg6[%run_scoped3A_43, %dma_wait3A_89] : memref<4x12288xf32, #tpu.memory_space<vmem>> -> memref<1x12288xf32, #tpu.memory_space<vmem>>
      %dma_wait3A_91 = tpu.memref_squeeze %dma_wait3A_90 : memref<1x12288xf32, #tpu.memory_space<vmem>> -> memref<12288xf32, #tpu.memory_space<vmem>>
      %dma_wait3A_92 = tpu.memref_slice %arg2[%add3A_42] : memref<1572864xf32, #tpu.memory_space<hbm>> -> memref<12288xf32, #tpu.memory_space<hbm>>
      tpu.wait_dma2 semaphore(%run_scoped3A_78 : memref<!tpu.dma_semaphore, #tpu.memory_space<semaphore_mem>>) src(%dma_wait3A_92 : memref<12288xf32, #tpu.memory_space<hbm>>) dst(%dma_wait3A_91 : memref<12288xf32, #tpu.memory_space<vmem>>)
      tpu.yield
    }) : () -> ()
    %add3A_44 = arith.constant 393216 : i32
    %add3A_45 = arith.addi %add3A_44, %add3A_35 : i32
    %run_scoped3A_46 = arith.constant 1 : i32
    "tpu.region"() ({
      %run_scoped3A_78 = tpu.sem_alloc : memref<!tpu.dma_semaphore, #tpu.memory_space<semaphore_mem>>
      %dma_start3A = arith.constant 0 : i32
      %dma_start3A_79 = tpu.memref_slice %arg7[%run_scoped3A_46, %dma_start3A] : memref<4x12288xf32, #tpu.memory_space<vmem>> -> memref<1x12288xf32, #tpu.memory_space<vmem>>
      %dma_start3A_80 = tpu.memref_squeeze %dma_start3A_79 : memref<1x12288xf32, #tpu.memory_space<vmem>> -> memref<12288xf32, #tpu.memory_space<vmem>>
      %dma_start3A_81 = tpu.memref_slice %arg3[%add3A_45] : memref<1572864xf32, #tpu.memory_space<hbm>> -> memref<12288xf32, #tpu.memory_space<hbm>>
      %dma_start3A_82 = arith.constant 0 : i32
      %dma_start3A_83 = tpu.memref_slice %arg7[%run_scoped3A_46, %dma_start3A_82] : memref<4x12288xf32, #tpu.memory_space<vmem>> -> memref<1x12288xf32, #tpu.memory_space<vmem>>
      %dma_start3A_84 = tpu.memref_squeeze %dma_start3A_83 : memref<1x12288xf32, #tpu.memory_space<vmem>> -> memref<12288xf32, #tpu.memory_space<vmem>>
      %dma_start3A_85 = tpu.memref_slice %arg3[%add3A_45] : memref<1572864xf32, #tpu.memory_space<hbm>> -> memref<12288xf32, #tpu.memory_space<hbm>>
      tpu.enqueue_dma source(%dma_start3A_85 : memref<12288xf32, #tpu.memory_space<hbm>>) target(%dma_start3A_84 : memref<12288xf32, #tpu.memory_space<vmem>>) target_semaphore(%run_scoped3A_78 : memref<!tpu.dma_semaphore, #tpu.memory_space<semaphore_mem>>)
      %dma_wait3A = arith.constant 0 : i32
      %dma_wait3A_86 = tpu.memref_slice %arg7[%run_scoped3A_46, %dma_wait3A] : memref<4x12288xf32, #tpu.memory_space<vmem>> -> memref<1x12288xf32, #tpu.memory_space<vmem>>
      %dma_wait3A_87 = tpu.memref_squeeze %dma_wait3A_86 : memref<1x12288xf32, #tpu.memory_space<vmem>> -> memref<12288xf32, #tpu.memory_space<vmem>>
      %dma_wait3A_88 = tpu.memref_slice %arg3[%add3A_45] : memref<1572864xf32, #tpu.memory_space<hbm>> -> memref<12288xf32, #tpu.memory_space<hbm>>
      %dma_wait3A_89 = arith.constant 0 : i32
      %dma_wait3A_90 = tpu.memref_slice %arg7[%run_scoped3A_46, %dma_wait3A_89] : memref<4x12288xf32, #tpu.memory_space<vmem>> -> memref<1x12288xf32, #tpu.memory_space<vmem>>
      %dma_wait3A_91 = tpu.memref_squeeze %dma_wait3A_90 : memref<1x12288xf32, #tpu.memory_space<vmem>> -> memref<12288xf32, #tpu.memory_space<vmem>>
      %dma_wait3A_92 = tpu.memref_slice %arg3[%add3A_45] : memref<1572864xf32, #tpu.memory_space<hbm>> -> memref<12288xf32, #tpu.memory_space<hbm>>
      tpu.wait_dma2 semaphore(%run_scoped3A_78 : memref<!tpu.dma_semaphore, #tpu.memory_space<semaphore_mem>>) src(%dma_wait3A_92 : memref<12288xf32, #tpu.memory_space<hbm>>) dst(%dma_wait3A_91 : memref<12288xf32, #tpu.memory_space<vmem>>)
      tpu.yield
    }) : () -> ()
    %add3A_47 = arith.constant 786432 : i32
    %add3A_48 = arith.addi %add3A_47, %add3A_35 : i32
    %run_scoped3A_49 = arith.constant 2 : i32
    "tpu.region"() ({
      %run_scoped3A_78 = tpu.sem_alloc : memref<!tpu.dma_semaphore, #tpu.memory_space<semaphore_mem>>
      %dma_start3A = arith.constant 0 : i32
      %dma_start3A_79 = tpu.memref_slice %arg6[%run_scoped3A_49, %dma_start3A] : memref<4x12288xf32, #tpu.memory_space<vmem>> -> memref<1x12288xf32, #tpu.memory_space<vmem>>
      %dma_start3A_80 = tpu.memref_squeeze %dma_start3A_79 : memref<1x12288xf32, #tpu.memory_space<vmem>> -> memref<12288xf32, #tpu.memory_space<vmem>>
      %dma_start3A_81 = tpu.memref_slice %arg2[%add3A_48] : memref<1572864xf32, #tpu.memory_space<hbm>> -> memref<12288xf32, #tpu.memory_space<hbm>>
      %dma_start3A_82 = arith.constant 0 : i32
      %dma_start3A_83 = tpu.memref_slice %arg6[%run_scoped3A_49, %dma_start3A_82] : memref<4x12288xf32, #tpu.memory_space<vmem>> -> memref<1x12288xf32, #tpu.memory_space<vmem>>
      %dma_start3A_84 = tpu.memref_squeeze %dma_start3A_83 : memref<1x12288xf32, #tpu.memory_space<vmem>> -> memref<12288xf32, #tpu.memory_space<vmem>>
      %dma_start3A_85 = tpu.memref_slice %arg2[%add3A_48] : memref<1572864xf32, #tpu.memory_space<hbm>> -> memref<12288xf32, #tpu.memory_space<hbm>>
      tpu.enqueue_dma source(%dma_start3A_85 : memref<12288xf32, #tpu.memory_space<hbm>>) target(%dma_start3A_84 : memref<12288xf32, #tpu.memory_space<vmem>>) target_semaphore(%run_scoped3A_78 : memref<!tpu.dma_semaphore, #tpu.memory_space<semaphore_mem>>)
      %dma_wait3A = arith.constant 0 : i32
      %dma_wait3A_86 = tpu.memref_slice %arg6[%run_scoped3A_49, %dma_wait3A] : memref<4x12288xf32, #tpu.memory_space<vmem>> -> memref<1x12288xf32, #tpu.memory_space<vmem>>
      %dma_wait3A_87 = tpu.memref_squeeze %dma_wait3A_86 : memref<1x12288xf32, #tpu.memory_space<vmem>> -> memref<12288xf32, #tpu.memory_space<vmem>>
      %dma_wait3A_88 = tpu.memref_slice %arg2[%add3A_48] : memref<1572864xf32, #tpu.memory_space<hbm>> -> memref<12288xf32, #tpu.memory_space<hbm>>
      %dma_wait3A_89 = arith.constant 0 : i32
      %dma_wait3A_90 = tpu.memref_slice %arg6[%run_scoped3A_49, %dma_wait3A_89] : memref<4x12288xf32, #tpu.memory_space<vmem>> -> memref<1x12288xf32, #tpu.memory_space<vmem>>
      %dma_wait3A_91 = tpu.memref_squeeze %dma_wait3A_90 : memref<1x12288xf32, #tpu.memory_space<vmem>> -> memref<12288xf32, #tpu.memory_space<vmem>>
      %dma_wait3A_92 = tpu.memref_slice %arg2[%add3A_48] : memref<1572864xf32, #tpu.memory_space<hbm>> -> memref<12288xf32, #tpu.memory_space<hbm>>
      tpu.wait_dma2 semaphore(%run_scoped3A_78 : memref<!tpu.dma_semaphore, #tpu.memory_space<semaphore_mem>>) src(%dma_wait3A_92 : memref<12288xf32, #tpu.memory_space<hbm>>) dst(%dma_wait3A_91 : memref<12288xf32, #tpu.memory_space<vmem>>)
      tpu.yield
    }) : () -> ()
    %add3A_50 = arith.constant 786432 : i32
    %add3A_51 = arith.addi %add3A_50, %add3A_35 : i32
    %run_scoped3A_52 = arith.constant 2 : i32
    "tpu.region"() ({
      %run_scoped3A_78 = tpu.sem_alloc : memref<!tpu.dma_semaphore, #tpu.memory_space<semaphore_mem>>
      %dma_start3A = arith.constant 0 : i32
      %dma_start3A_79 = tpu.memref_slice %arg7[%run_scoped3A_52, %dma_start3A] : memref<4x12288xf32, #tpu.memory_space<vmem>> -> memref<1x12288xf32, #tpu.memory_space<vmem>>
      %dma_start3A_80 = tpu.memref_squeeze %dma_start3A_79 : memref<1x12288xf32, #tpu.memory_space<vmem>> -> memref<12288xf32, #tpu.memory_space<vmem>>
      %dma_start3A_81 = tpu.memref_slice %arg3[%add3A_51] : memref<1572864xf32, #tpu.memory_space<hbm>> -> memref<12288xf32, #tpu.memory_space<hbm>>
      %dma_start3A_82 = arith.constant 0 : i32
      %dma_start3A_83 = tpu.memref_slice %arg7[%run_scoped3A_52, %dma_start3A_82] : memref<4x12288xf32, #tpu.memory_space<vmem>> -> memref<1x12288xf32, #tpu.memory_space<vmem>>
      %dma_start3A_84 = tpu.memref_squeeze %dma_start3A_83 : memref<1x12288xf32, #tpu.memory_space<vmem>> -> memref<12288xf32, #tpu.memory_space<vmem>>
      %dma_start3A_85 = tpu.memref_slice %arg3[%add3A_51] : memref<1572864xf32, #tpu.memory_space<hbm>> -> memref<12288xf32, #tpu.memory_space<hbm>>
      tpu.enqueue_dma source(%dma_start3A_85 : memref<12288xf32, #tpu.memory_space<hbm>>) target(%dma_start3A_84 : memref<12288xf32, #tpu.memory_space<vmem>>) target_semaphore(%run_scoped3A_78 : memref<!tpu.dma_semaphore, #tpu.memory_space<semaphore_mem>>)
      %dma_wait3A = arith.constant 0 : i32
      %dma_wait3A_86 = tpu.memref_slice %arg7[%run_scoped3A_52, %dma_wait3A] : memref<4x12288xf32, #tpu.memory_space<vmem>> -> memref<1x12288xf32, #tpu.memory_space<vmem>>
      %dma_wait3A_87 = tpu.memref_squeeze %dma_wait3A_86 : memref<1x12288xf32, #tpu.memory_space<vmem>> -> memref<12288xf32, #tpu.memory_space<vmem>>
      %dma_wait3A_88 = tpu.memref_slice %arg3[%add3A_51] : memref<1572864xf32, #tpu.memory_space<hbm>> -> memref<12288xf32, #tpu.memory_space<hbm>>
      %dma_wait3A_89 = arith.constant 0 : i32
      %dma_wait3A_90 = tpu.memref_slice %arg7[%run_scoped3A_52, %dma_wait3A_89] : memref<4x12288xf32, #tpu.memory_space<vmem>> -> memref<1x12288xf32, #tpu.memory_space<vmem>>
      %dma_wait3A_91 = tpu.memref_squeeze %dma_wait3A_90 : memref<1x12288xf32, #tpu.memory_space<vmem>> -> memref<12288xf32, #tpu.memory_space<vmem>>
      %dma_wait3A_92 = tpu.memref_slice %arg3[%add3A_51] : memref<1572864xf32, #tpu.memory_space<hbm>> -> memref<12288xf32, #tpu.memory_space<hbm>>
      tpu.wait_dma2 semaphore(%run_scoped3A_78 : memref<!tpu.dma_semaphore, #tpu.memory_space<semaphore_mem>>) src(%dma_wait3A_92 : memref<12288xf32, #tpu.memory_space<hbm>>) dst(%dma_wait3A_91 : memref<12288xf32, #tpu.memory_space<vmem>>)
      tpu.yield
    }) : () -> ()
    %add3A_53 = arith.constant 1179648 : i32
    %add3A_54 = arith.addi %add3A_53, %add3A_35 : i32
    %run_scoped3A_55 = arith.constant 3 : i32
    "tpu.region"() ({
      %run_scoped3A_78 = tpu.sem_alloc : memref<!tpu.dma_semaphore, #tpu.memory_space<semaphore_mem>>
      %dma_start3A = arith.constant 0 : i32
      %dma_start3A_79 = tpu.memref_slice %arg6[%run_scoped3A_55, %dma_start3A] : memref<4x12288xf32, #tpu.memory_space<vmem>> -> memref<1x12288xf32, #tpu.memory_space<vmem>>
      %dma_start3A_80 = tpu.memref_squeeze %dma_start3A_79 : memref<1x12288xf32, #tpu.memory_space<vmem>> -> memref<12288xf32, #tpu.memory_space<vmem>>
      %dma_start3A_81 = tpu.memref_slice %arg2[%add3A_54] : memref<1572864xf32, #tpu.memory_space<hbm>> -> memref<12288xf32, #tpu.memory_space<hbm>>
      %dma_start3A_82 = arith.constant 0 : i32
      %dma_start3A_83 = tpu.memref_slice %arg6[%run_scoped3A_55, %dma_start3A_82] : memref<4x12288xf32, #tpu.memory_space<vmem>> -> memref<1x12288xf32, #tpu.memory_space<vmem>>
      %dma_start3A_84 = tpu.memref_squeeze %dma_start3A_83 : memref<1x12288xf32, #tpu.memory_space<vmem>> -> memref<12288xf32, #tpu.memory_space<vmem>>
      %dma_start3A_85 = tpu.memref_slice %arg2[%add3A_54] : memref<1572864xf32, #tpu.memory_space<hbm>> -> memref<12288xf32, #tpu.memory_space<hbm>>
      tpu.enqueue_dma source(%dma_start3A_85 : memref<12288xf32, #tpu.memory_space<hbm>>) target(%dma_start3A_84 : memref<12288xf32, #tpu.memory_space<vmem>>) target_semaphore(%run_scoped3A_78 : memref<!tpu.dma_semaphore, #tpu.memory_space<semaphore_mem>>)
      %dma_wait3A = arith.constant 0 : i32
      %dma_wait3A_86 = tpu.memref_slice %arg6[%run_scoped3A_55, %dma_wait3A] : memref<4x12288xf32, #tpu.memory_space<vmem>> -> memref<1x12288xf32, #tpu.memory_space<vmem>>
      %dma_wait3A_87 = tpu.memref_squeeze %dma_wait3A_86 : memref<1x12288xf32, #tpu.memory_space<vmem>> -> memref<12288xf32, #tpu.memory_space<vmem>>
      %dma_wait3A_88 = tpu.memref_slice %arg2[%add3A_54] : memref<1572864xf32, #tpu.memory_space<hbm>> -> memref<12288xf32, #tpu.memory_space<hbm>>
      %dma_wait3A_89 = arith.constant 0 : i32
      %dma_wait3A_90 = tpu.memref_slice %arg6[%run_scoped3A_55, %dma_wait3A_89] : memref<4x12288xf32, #tpu.memory_space<vmem>> -> memref<1x12288xf32, #tpu.memory_space<vmem>>
      %dma_wait3A_91 = tpu.memref_squeeze %dma_wait3A_90 : memref<1x12288xf32, #tpu.memory_space<vmem>> -> memref<12288xf32, #tpu.memory_space<vmem>>
      %dma_wait3A_92 = tpu.memref_slice %arg2[%add3A_54] : memref<1572864xf32, #tpu.memory_space<hbm>> -> memref<12288xf32, #tpu.memory_space<hbm>>
      tpu.wait_dma2 semaphore(%run_scoped3A_78 : memref<!tpu.dma_semaphore, #tpu.memory_space<semaphore_mem>>) src(%dma_wait3A_92 : memref<12288xf32, #tpu.memory_space<hbm>>) dst(%dma_wait3A_91 : memref<12288xf32, #tpu.memory_space<vmem>>)
      tpu.yield
    }) : () -> ()
    %add3A_56 = arith.constant 1179648 : i32
    %add3A_57 = arith.addi %add3A_56, %add3A_35 : i32
    %run_scoped3A_58 = arith.constant 3 : i32
    "tpu.region"() ({
      %run_scoped3A_78 = tpu.sem_alloc : memref<!tpu.dma_semaphore, #tpu.memory_space<semaphore_mem>>
      %dma_start3A = arith.constant 0 : i32
      %dma_start3A_79 = tpu.memref_slice %arg7[%run_scoped3A_58, %dma_start3A] : memref<4x12288xf32, #tpu.memory_space<vmem>> -> memref<1x12288xf32, #tpu.memory_space<vmem>>
      %dma_start3A_80 = tpu.memref_squeeze %dma_start3A_79 : memref<1x12288xf32, #tpu.memory_space<vmem>> -> memref<12288xf32, #tpu.memory_space<vmem>>
      %dma_start3A_81 = tpu.memref_slice %arg3[%add3A_57] : memref<1572864xf32, #tpu.memory_space<hbm>> -> memref<12288xf32, #tpu.memory_space<hbm>>
      %dma_start3A_82 = arith.constant 0 : i32
      %dma_start3A_83 = tpu.memref_slice %arg7[%run_scoped3A_58, %dma_start3A_82] : memref<4x12288xf32, #tpu.memory_space<vmem>> -> memref<1x12288xf32, #tpu.memory_space<vmem>>
      %dma_start3A_84 = tpu.memref_squeeze %dma_start3A_83 : memref<1x12288xf32, #tpu.memory_space<vmem>> -> memref<12288xf32, #tpu.memory_space<vmem>>
      %dma_start3A_85 = tpu.memref_slice %arg3[%add3A_57] : memref<1572864xf32, #tpu.memory_space<hbm>> -> memref<12288xf32, #tpu.memory_space<hbm>>
      tpu.enqueue_dma source(%dma_start3A_85 : memref<12288xf32, #tpu.memory_space<hbm>>) target(%dma_start3A_84 : memref<12288xf32, #tpu.memory_space<vmem>>) target_semaphore(%run_scoped3A_78 : memref<!tpu.dma_semaphore, #tpu.memory_space<semaphore_mem>>)
      %dma_wait3A = arith.constant 0 : i32
      %dma_wait3A_86 = tpu.memref_slice %arg7[%run_scoped3A_58, %dma_wait3A] : memref<4x12288xf32, #tpu.memory_space<vmem>> -> memref<1x12288xf32, #tpu.memory_space<vmem>>
      %dma_wait3A_87 = tpu.memref_squeeze %dma_wait3A_86 : memref<1x12288xf32, #tpu.memory_space<vmem>> -> memref<12288xf32, #tpu.memory_space<vmem>>
      %dma_wait3A_88 = tpu.memref_slice %arg3[%add3A_57] : memref<1572864xf32, #tpu.memory_space<hbm>> -> memref<12288xf32, #tpu.memory_space<hbm>>
      %dma_wait3A_89 = arith.constant 0 : i32
      %dma_wait3A_90 = tpu.memref_slice %arg7[%run_scoped3A_58, %dma_wait3A_89] : memref<4x12288xf32, #tpu.memory_space<vmem>> -> memref<1x12288xf32, #tpu.memory_space<vmem>>
      %dma_wait3A_91 = tpu.memref_squeeze %dma_wait3A_90 : memref<1x12288xf32, #tpu.memory_space<vmem>> -> memref<12288xf32, #tpu.memory_space<vmem>>
      %dma_wait3A_92 = tpu.memref_slice %arg3[%add3A_57] : memref<1572864xf32, #tpu.memory_space<hbm>> -> memref<12288xf32, #tpu.memory_space<hbm>>
      tpu.wait_dma2 semaphore(%run_scoped3A_78 : memref<!tpu.dma_semaphore, #tpu.memory_space<semaphore_mem>>) src(%dma_wait3A_92 : memref<12288xf32, #tpu.memory_space<hbm>>) dst(%dma_wait3A_91 : memref<12288xf32, #tpu.memory_space<vmem>>)
      tpu.yield
    }) : () -> ()
    "tpu.region"() ({
      %run_scoped3A_78 = tpu.sem_alloc : memref<!tpu.dma_semaphore, #tpu.memory_space<semaphore_mem>>
      %dma_start3A = tpu.memref_slice %arg4[%add3A_35] : memref<393216xi32, #tpu.memory_space<hbm>> -> memref<12288xi32, #tpu.memory_space<hbm>>
      %dma_start3A_79 = tpu.memref_slice %arg4[%add3A_35] : memref<393216xi32, #tpu.memory_space<hbm>> -> memref<12288xi32, #tpu.memory_space<hbm>>
      tpu.enqueue_dma source(%dma_start3A_79 : memref<12288xi32, #tpu.memory_space<hbm>>) target(%arg8 : memref<12288xi32, #tpu.memory_space<vmem>>) target_semaphore(%run_scoped3A_78 : memref<!tpu.dma_semaphore, #tpu.memory_space<semaphore_mem>>)
      %dma_wait3A = tpu.memref_slice %arg4[%add3A_35] : memref<393216xi32, #tpu.memory_space<hbm>> -> memref<12288xi32, #tpu.memory_space<hbm>>
      %dma_wait3A_80 = tpu.memref_slice %arg4[%add3A_35] : memref<393216xi32, #tpu.memory_space<hbm>> -> memref<12288xi32, #tpu.memory_space<hbm>>
      tpu.wait_dma2 semaphore(%run_scoped3A_78 : memref<!tpu.dma_semaphore, #tpu.memory_space<semaphore_mem>>) src(%dma_wait3A_80 : memref<12288xi32, #tpu.memory_space<hbm>>) dst(%arg8 : memref<12288xi32, #tpu.memory_space<vmem>>)
      tpu.yield
    }) : () -> ()
    %broadcast_in_dim3A = arith.constant 0.000000e+00 : f32
    %broadcast_in_dim3A_59 = vector.broadcast %broadcast_in_dim3A : f32 to vector<16xf32>
    %broadcast_in_dim3A_60 = arith.constant 0 : i32
    %broadcast_in_dim3A_61 = vector.broadcast %broadcast_in_dim3A_60 : i32 to vector<16xi32>
    %scan3A = arith.constant 0 : i32
    %scan3A_62 = arith.constant 768 : i32
    %scan3A_63 = arith.addi %scan3A, %scan3A_62 : i32
    %scan3A_64 = arith.constant 1 : i32
    %scan3A_65:2 = scf.for %scan3A_78 = %scan3A to %scan3A_63 step %scan3A_64 iter_args(%scan3A_79 = %broadcast_in_dim3A_59, %scan3A_80 = %broadcast_in_dim3A_61) -> (vector<16xf32>, vector<16xi32>)  : i32 {
      %mul3A_81 = arith.constant 16 : i32
      %mul3A_82 = arith.muli %scan3A_78, %mul3A_81 : i32
      %get3A = arith.index_cast %mul3A_82 : i32 to index
      %get3A_83 = tpu.vector_load %arg8[%get3A] {strides = array<i32>} : memref<12288xi32, #tpu.memory_space<vmem>>, vector<16xi32>,
      %get3A_84 = vector.shape_cast %get3A_83 : vector<16xi32> to vector<16xi32>
      %ne3A_85 = arith.constant 0 : i32
      %ne3A_86 = vector.broadcast %ne3A_85 : i32 to vector<16xi32>
      %ne3A_87 = arith.cmpi ne, %get3A_84, %ne3A_86 : vector<16xi32>
      %jit3A_88 = arith.constant 1 : i32
      %jit3A_89 = arith.constant 0 : i32
      %broadcast_in_dim3A_90 = vector.broadcast %jit3A_88 : i32 to vector<16xi32>
      %broadcast_in_dim3A_91 = vector.broadcast %jit3A_89 : i32 to vector<16xi32>
      %select_n3A_92 = arith.select %ne3A_87, %broadcast_in_dim3A_90, %broadcast_in_dim3A_91 : vector<16xi1>, vector<16xi32>
      %add3A_93 = arith.addi %scan3A_80, %select_n3A_92 : vector<16xi32>
      %mul3A_94 = arith.constant 16 : i32
      %mul3A_95 = arith.muli %scan3A_78, %mul3A_94 : i32
      %get3A_96 = arith.constant 0 : i32
      %get3A_97 = arith.index_cast %get3A_96 : i32 to index
      %get3A_98 = arith.index_cast %mul3A_95 : i32 to index
      %get3A_99 = tpu.vector_load %arg6[%get3A_97, %get3A_98] {strides = array<i32>} : memref<4x12288xf32, #tpu.memory_space<vmem>>, vector<1x16xf32>,
      %get3A_100 = vector.shape_cast %get3A_99 : vector<1x16xf32> to vector<16xf32>
      %mul3A_101 = arith.constant 16 : i32
      %mul3A_102 = arith.muli %scan3A_78, %mul3A_101 : i32
      %get3A_103 = arith.constant 0 : i32
      %get3A_104 = arith.index_cast %get3A_103 : i32 to index
      %get3A_105 = arith.index_cast %mul3A_102 : i32 to index
      %get3A_106 = tpu.vector_load %arg7[%get3A_104, %get3A_105] {strides = array<i32>} : memref<4x12288xf32, #tpu.memory_space<vmem>>, vector<1x16xf32>,
      %get3A_107 = vector.shape_cast %get3A_106 : vector<1x16xf32> to vector<16xf32>
      %sub3A_108 = arith.subf %get3A_100, %get3A_107 : vector<16xf32>
      %abs3A = math.absf %sub3A_108 : vector<16xf32>
      %lt3A_109 = arith.constant 1.000000e+00 : f32
      %lt3A_110 = vector.broadcast %lt3A_109 : f32 to vector<16xf32>
      %lt3A_111 = arith.cmpf olt, %abs3A, %lt3A_110 : vector<16xf32>
      %mul3A_112 = arith.constant 5.000000e-01 : f32
      %mul3A_113 = vector.broadcast %mul3A_112 : f32 to vector<16xf32>
      %mul3A_114 = arith.mulf %mul3A_113, %sub3A_108 : vector<16xf32>
      %mul3A_115 = arith.mulf %mul3A_114, %sub3A_108 : vector<16xf32>
      %sub3A_116 = arith.constant 5.000000e-01 : f32
      %sub3A_117 = vector.broadcast %sub3A_116 : f32 to vector<16xf32>
      %sub3A_118 = arith.subf %abs3A, %sub3A_117 : vector<16xf32>
      %select_n3A_119 = arith.select %lt3A_111, %mul3A_115, %sub3A_118 : vector<16xi1>, vector<16xf32>
      %jit3A_120 = arith.constant 0.000000e+00 : f32
      %broadcast_in_dim3A_121 = vector.broadcast %jit3A_120 : f32 to vector<16xf32>
      %select_n3A_122 = arith.select %ne3A_87, %select_n3A_119, %broadcast_in_dim3A_121 : vector<16xi1>, vector<16xf32>
      %add3A_123 = arith.addf %scan3A_79, %select_n3A_122 : vector<16xf32>
      %mul3A_124 = arith.constant 16 : i32
      %mul3A_125 = arith.muli %scan3A_78, %mul3A_124 : i32
      %get3A_126 = arith.constant 1 : i32
      %get3A_127 = arith.index_cast %get3A_126 : i32 to index
      %get3A_128 = arith.index_cast %mul3A_125 : i32 to index
      %get3A_129 = tpu.vector_load %arg6[%get3A_127, %get3A_128] {strides = array<i32>} : memref<4x12288xf32, #tpu.memory_space<vmem>>, vector<1x16xf32>,
      %get3A_130 = vector.shape_cast %get3A_129 : vector<1x16xf32> to vector<16xf32>
      %mul3A_131 = arith.constant 16 : i32
      %mul3A_132 = arith.muli %scan3A_78, %mul3A_131 : i32
      %get3A_133 = arith.constant 1 : i32
      %get3A_134 = arith.index_cast %get3A_133 : i32 to index
      %get3A_135 = arith.index_cast %mul3A_132 : i32 to index
      %get3A_136 = tpu.vector_load %arg7[%get3A_134, %get3A_135] {strides = array<i32>} : memref<4x12288xf32, #tpu.memory_space<vmem>>, vector<1x16xf32>,
      %get3A_137 = vector.shape_cast %get3A_136 : vector<1x16xf32> to vector<16xf32>
      %sub3A_138 = arith.subf %get3A_130, %get3A_137 : vector<16xf32>
      %abs3A_139 = math.absf %sub3A_138 : vector<16xf32>
      %lt3A_140 = arith.constant 1.000000e+00 : f32
      %lt3A_141 = vector.broadcast %lt3A_140 : f32 to vector<16xf32>
      %lt3A_142 = arith.cmpf olt, %abs3A_139, %lt3A_141 : vector<16xf32>
      %mul3A_143 = arith.constant 5.000000e-01 : f32
      %mul3A_144 = vector.broadcast %mul3A_143 : f32 to vector<16xf32>
      %mul3A_145 = arith.mulf %mul3A_144, %sub3A_138 : vector<16xf32>
      %mul3A_146 = arith.mulf %mul3A_145, %sub3A_138 : vector<16xf32>
      %sub3A_147 = arith.constant 5.000000e-01 : f32
      %sub3A_148 = vector.broadcast %sub3A_147 : f32 to vector<16xf32>
      %sub3A_149 = arith.subf %abs3A_139, %sub3A_148 : vector<16xf32>
      %select_n3A_150 = arith.select %lt3A_142, %mul3A_146, %sub3A_149 : vector<16xi1>, vector<16xf32>
      %jit3A_151 = arith.constant 0.000000e+00 : f32
      %broadcast_in_dim3A_152 = vector.broadcast %jit3A_151 : f32 to vector<16xf32>
      %select_n3A_153 = arith.select %ne3A_87, %select_n3A_150, %broadcast_in_dim3A_152 : vector<16xi1>, vector<16xf32>
      %add3A_154 = arith.addf %add3A_123, %select_n3A_153 : vector<16xf32>
      %mul3A_155 = arith.constant 16 : i32
      %mul3A_156 = arith.muli %scan3A_78, %mul3A_155 : i32
      %get3A_157 = arith.constant 2 : i32
      %get3A_158 = arith.index_cast %get3A_157 : i32 to index
      %get3A_159 = arith.index_cast %mul3A_156 : i32 to index
      %get3A_160 = tpu.vector_load %arg6[%get3A_158, %get3A_159] {strides = array<i32>} : memref<4x12288xf32, #tpu.memory_space<vmem>>, vector<1x16xf32>,
      %get3A_161 = vector.shape_cast %get3A_160 : vector<1x16xf32> to vector<16xf32>
      %mul3A_162 = arith.constant 16 : i32
      %mul3A_163 = arith.muli %scan3A_78, %mul3A_162 : i32
      %get3A_164 = arith.constant 2 : i32
      %get3A_165 = arith.index_cast %get3A_164 : i32 to index
      %get3A_166 = arith.index_cast %mul3A_163 : i32 to index
      %get3A_167 = tpu.vector_load %arg7[%get3A_165, %get3A_166] {strides = array<i32>} : memref<4x12288xf32, #tpu.memory_space<vmem>>, vector<1x16xf32>,
      %get3A_168 = vector.shape_cast %get3A_167 : vector<1x16xf32> to vector<16xf32>
      %sub3A_169 = arith.subf %get3A_161, %get3A_168 : vector<16xf32>
      %abs3A_170 = math.absf %sub3A_169 : vector<16xf32>
      %lt3A_171 = arith.constant 1.000000e+00 : f32
      %lt3A_172 = vector.broadcast %lt3A_171 : f32 to vector<16xf32>
      %lt3A_173 = arith.cmpf olt, %abs3A_170, %lt3A_172 : vector<16xf32>
      %mul3A_174 = arith.constant 5.000000e-01 : f32
      %mul3A_175 = vector.broadcast %mul3A_174 : f32 to vector<16xf32>
      %mul3A_176 = arith.mulf %mul3A_175, %sub3A_169 : vector<16xf32>
      %mul3A_177 = arith.mulf %mul3A_176, %sub3A_169 : vector<16xf32>
      %sub3A_178 = arith.constant 5.000000e-01 : f32
      %sub3A_179 = vector.broadcast %sub3A_178 : f32 to vector<16xf32>
      %sub3A_180 = arith.subf %abs3A_170, %sub3A_179 : vector<16xf32>
      %select_n3A_181 = arith.select %lt3A_173, %mul3A_177, %sub3A_180 : vector<16xi1>, vector<16xf32>
      %jit3A_182 = arith.constant 0.000000e+00 : f32
      %broadcast_in_dim3A_183 = vector.broadcast %jit3A_182 : f32 to vector<16xf32>
      %select_n3A_184 = arith.select %ne3A_87, %select_n3A_181, %broadcast_in_dim3A_183 : vector<16xi1>, vector<16xf32>
      %add3A_185 = arith.addf %add3A_154, %select_n3A_184 : vector<16xf32>
      %mul3A_186 = arith.constant 16 : i32
      %mul3A_187 = arith.muli %scan3A_78, %mul3A_186 : i32
      %get3A_188 = arith.constant 3 : i32
      %get3A_189 = arith.index_cast %get3A_188 : i32 to index
      %get3A_190 = arith.index_cast %mul3A_187 : i32 to index
      %get3A_191 = tpu.vector_load %arg6[%get3A_189, %get3A_190] {strides = array<i32>} : memref<4x12288xf32, #tpu.memory_space<vmem>>, vector<1x16xf32>,
      %get3A_192 = vector.shape_cast %get3A_191 : vector<1x16xf32> to vector<16xf32>
      %mul3A_193 = arith.constant 16 : i32
      %mul3A_194 = arith.muli %scan3A_78, %mul3A_193 : i32
      %get3A_195 = arith.constant 3 : i32
      %get3A_196 = arith.index_cast %get3A_195 : i32 to index
      %get3A_197 = arith.index_cast %mul3A_194 : i32 to index
      %get3A_198 = tpu.vector_load %arg7[%get3A_196, %get3A_197] {strides = array<i32>} : memref<4x12288xf32, #tpu.memory_space<vmem>>, vector<1x16xf32>,
      %get3A_199 = vector.shape_cast %get3A_198 : vector<1x16xf32> to vector<16xf32>
      %sub3A_200 = arith.subf %get3A_192, %get3A_199 : vector<16xf32>
      %abs3A_201 = math.absf %sub3A_200 : vector<16xf32>
      %lt3A_202 = arith.constant 1.000000e+00 : f32
      %lt3A_203 = vector.broadcast %lt3A_202 : f32 to vector<16xf32>
      %lt3A_204 = arith.cmpf olt, %abs3A_201, %lt3A_203 : vector<16xf32>
      %mul3A_205 = arith.constant 5.000000e-01 : f32
      %mul3A_206 = vector.broadcast %mul3A_205 : f32 to vector<16xf32>
      %mul3A_207 = arith.mulf %mul3A_206, %sub3A_200 : vector<16xf32>
      %mul3A_208 = arith.mulf %mul3A_207, %sub3A_200 : vector<16xf32>
      %sub3A_209 = arith.constant 5.000000e-01 : f32
      %sub3A_210 = vector.broadcast %sub3A_209 : f32 to vector<16xf32>
      %sub3A_211 = arith.subf %abs3A_201, %sub3A_210 : vector<16xf32>
      %select_n3A_212 = arith.select %lt3A_204, %mul3A_208, %sub3A_211 : vector<16xi1>, vector<16xf32>
      %jit3A_213 = arith.constant 0.000000e+00 : f32
      %broadcast_in_dim3A_214 = vector.broadcast %jit3A_213 : f32 to vector<16xf32>
      %select_n3A_215 = arith.select %ne3A_87, %select_n3A_212, %broadcast_in_dim3A_214 : vector<16xi1>, vector<16xf32>
      %add3A_216 = arith.addf %add3A_185, %select_n3A_215 : vector<16xf32>
      scf.yield %add3A_216, %add3A_93 : vector<16xf32>, vector<16xi32>
    }
    %scan3A_66 = arith.constant 768 : i32
    %swap3A = arith.constant 0 : i32
    %swap3A_67 = arith.index_cast %swap3A : i32 to index
    %swap3A_68 = arith.constant 0 : index
    %swap3A_69 = tpu.vector_load %arg9[%swap3A_67, %swap3A_68] {strides = array<i32>} : memref<2x16xf32, #tpu.memory_space<vmem>>, vector<1x16xf32>,
    %swap3A_70 = vector.shape_cast %swap3A_69 : vector<1x16xf32> to vector<16xf32>
    %swap3A_71 = vector.shape_cast %scan3A_65#0 : vector<16xf32> to vector<1x16xf32>
    tpu.vector_store %arg9[%swap3A_67, %swap3A_68], %swap3A_71 {strides = array<i32>} : memref<2x16xf32, #tpu.memory_space<vmem>>, vector<1x16xf32>,
    %convert_element_type3A = arith.sitofp %scan3A_65#1 : vector<16xi32> to vector<16xf32>
    %swap3A_72 = arith.constant 1 : i32
    %swap3A_73 = arith.index_cast %swap3A_72 : i32 to index
    %swap3A_74 = arith.constant 0 : index
    %swap3A_75 = tpu.vector_load %arg9[%swap3A_73, %swap3A_74] {strides = array<i32>} : memref<2x16xf32, #tpu.memory_space<vmem>>, vector<1x16xf32>,
    %swap3A_76 = vector.shape_cast %swap3A_75 : vector<1x16xf32> to vector<16xf32>
    %swap3A_77 = vector.shape_cast %convert_element_type3A : vector<16xf32> to vector<1x16xf32>
    tpu.vector_store %arg9[%swap3A_73, %swap3A_74], %swap3A_77 {strides = array<i32>} : memref<2x16xf32, #tpu.memory_space<vmem>>, vector<1x16xf32>,
    "tpu.region"() ({
      %run_scoped3A_78 = tpu.sem_alloc : memref<!tpu.dma_semaphore, #tpu.memory_space<semaphore_mem>>
      %dma_start3A = arith.constant 0 : i32
      %dma_start3A_79 = arith.constant 0 : i32
      %dma_start3A_80 = tpu.memref_slice %arg5[%add3A, %dma_start3A, %dma_start3A_79] : memref<32x2x16xf32, #tpu.memory_space<hbm>> -> memref<1x2x16xf32, #tpu.memory_space<hbm>>
      %dma_start3A_81 = tpu.memref_squeeze %dma_start3A_80 : memref<1x2x16xf32, #tpu.memory_space<hbm>> -> memref<2x16xf32, #tpu.memory_space<hbm>>
      %dma_start3A_82 = arith.constant 0 : i32
      %dma_start3A_83 = arith.constant 0 : i32
      %dma_start3A_84 = tpu.memref_slice %arg5[%add3A, %dma_start3A_82, %dma_start3A_83] : memref<32x2x16xf32, #tpu.memory_space<hbm>> -> memref<1x2x16xf32, #tpu.memory_space<hbm>>
      %dma_start3A_85 = tpu.memref_squeeze %dma_start3A_84 : memref<1x2x16xf32, #tpu.memory_space<hbm>> -> memref<2x16xf32, #tpu.memory_space<hbm>>
      tpu.enqueue_dma source(%arg9 : memref<2x16xf32, #tpu.memory_space<vmem>>) target(%dma_start3A_85 : memref<2x16xf32, #tpu.memory_space<hbm>>) target_semaphore(%run_scoped3A_78 : memref<!tpu.dma_semaphore, #tpu.memory_space<semaphore_mem>>)
      %dma_wait3A = arith.constant 0 : i32
      %dma_wait3A_86 = arith.constant 0 : i32
      %dma_wait3A_87 = tpu.memref_slice %arg5[%add3A, %dma_wait3A, %dma_wait3A_86] : memref<32x2x16xf32, #tpu.memory_space<hbm>> -> memref<1x2x16xf32, #tpu.memory_space<hbm>>
      %dma_wait3A_88 = tpu.memref_squeeze %dma_wait3A_87 : memref<1x2x16xf32, #tpu.memory_space<hbm>> -> memref<2x16xf32, #tpu.memory_space<hbm>>
      %dma_wait3A_89 = arith.constant 0 : i32
      %dma_wait3A_90 = arith.constant 0 : i32
      %dma_wait3A_91 = tpu.memref_slice %arg5[%add3A, %dma_wait3A_89, %dma_wait3A_90] : memref<32x2x16xf32, #tpu.memory_space<hbm>> -> memref<1x2x16xf32, #tpu.memory_space<hbm>>
      %dma_wait3A_92 = tpu.memref_squeeze %dma_wait3A_91 : memref<1x2x16xf32, #tpu.memory_space<hbm>> -> memref<2x16xf32, #tpu.memory_space<hbm>>
      tpu.wait_dma2 semaphore(%run_scoped3A_78 : memref<!tpu.dma_semaphore, #tpu.memory_space<semaphore_mem>>) src(%arg9 : memref<2x16xf32, #tpu.memory_space<vmem>>) dst(%dma_wait3A_92 : memref<2x16xf32, #tpu.memory_space<hbm>>)
      tpu.yield
    }) : () -> ()
    return
  }
}

module attributes {stable_mosaic.version = 14 : i64} {
  func.func @_cls_kernel(%arg0: i32, %arg1: i32, %arg2: memref<1x81x2048xf32, #tpu.memory_space<vmem>>, %arg3: memref<1x1x2048xi32, #tpu.memory_space<vmem>>, %arg4: memref<1x1xf32, #tpu.memory_space<smem>>, %arg5: memref<12x2048xf32, #tpu.memory_space<vmem>>, %arg6: memref<2xf32, #tpu.memory_space<smem>>, %arg7: memref<1xi32, #tpu.memory_space<smem>>) attributes {dimension_semantics = [#tpu.dimension_semantics<arbitrary>, #tpu.dimension_semantics<arbitrary>], iteration_bounds = array<i64: 16, 12>, scalar_prefetch = 0 : i64, scratch_operands = 3 : i64, tpu.core_type = #tpu.core_type<tc>, window_params = [{transform_indices = @transform_0, window_bounds = array<i64: 1, 81, 2048>}, {transform_indices = @transform_1, window_bounds = array<i64: 1, 1, 2048>}, {transform_indices = @transform_2, window_bounds = array<i64: 1, 1>}]} {
    %get3A = arith.constant 0 : index
    %get3A_0 = arith.constant 0 : index
    %get3A_1 = arith.constant 0 : index
    %get3A_2 = vector.load %arg2[%get3A, %get3A_0, %get3A_1] : memref<1x81x2048xf32, #tpu.memory_space<vmem>>, vector<1x81x2048xf32>
    %get3A_3 = vector.shape_cast %get3A_2 : vector<1x81x2048xf32> to vector<81x2048xf32>
    %get3A_4 = arith.constant 0 : index
    %get3A_5 = arith.constant 0 : index
    %get3A_6 = arith.constant 0 : index
    %get3A_7 = vector.load %arg3[%get3A_4, %get3A_5, %get3A_6] : memref<1x1x2048xi32, #tpu.memory_space<vmem>>, vector<1x1x2048xi32>
    %get3A_8 = vector.shape_cast %get3A_7 : vector<1x1x2048xi32> to vector<2048xi32>
    %ne3A = arith.constant 0 : i32
    %ne3A_9 = vector.broadcast %ne3A : i32 to vector<2048xi32>
    %ne3A_10 = arith.cmpi ne, %get3A_8, %ne3A_9 : vector<2048xi32>
    %reduce_max3A = arith.constant dense<0xFF800000> : vector<2048xf32>
    %reduce_max3A_11 = vector.multi_reduction <maximumf>, %get3A_3, %reduce_max3A [0] : vector<81x2048xf32> to vector<2048xf32>
    %broadcast_in_dim3A = vector.shape_cast %reduce_max3A_11 : vector<2048xf32> to vector<1x2048xf32>
    %sub3A = vector.broadcast %broadcast_in_dim3A : vector<1x2048xf32> to vector<81x2048xf32>
    %sub3A_12 = arith.subf %get3A_3, %sub3A : vector<81x2048xf32>
    %exp3A = math.exp %sub3A_12 : vector<81x2048xf32>
    %reduce_sum3A = arith.constant dense<0.000000e+00> : vector<2048xf32>
    %reduce_sum3A_13 = vector.multi_reduction <add>, %exp3A, %reduce_sum3A [0] : vector<81x2048xf32> to vector<2048xf32>
    %log3A = math.log %reduce_sum3A_13 : vector<2048xf32>
    %add3A = arith.addf %reduce_max3A_11, %log3A : vector<2048xf32>
    %iota3A = tpu.iota {dimensions = array<i32: 0>} : vector<81x2048xi32>
    %broadcast_in_dim3A_14 = vector.shape_cast %get3A_8 : vector<2048xi32> to vector<1x2048xi32>
    %eq3A = vector.broadcast %broadcast_in_dim3A_14 : vector<1x2048xi32> to vector<81x2048xi32>
    %eq3A_15 = arith.cmpi eq, %iota3A, %eq3A : vector<81x2048xi32>
    %ne3A_16 = arith.constant 0 : i32
    %ne3A_17 = vector.broadcast %ne3A_16 : i32 to vector<81x2048xi32>
    %ne3A_18 = arith.cmpi ne, %iota3A, %ne3A_17 : vector<81x2048xi32>
    %and3A = arith.andi %eq3A_15, %ne3A_18 : vector<81x2048xi1>
    %jit3A = arith.constant 0.000000e+00 : f32
    %broadcast_in_dim3A_19 = vector.broadcast %jit3A : f32 to vector<81x2048xf32>
    %select_n3A = arith.select %and3A, %get3A_3, %broadcast_in_dim3A_19 : vector<81x2048xi1>, vector<81x2048xf32>
    %reduce_sum3A_20 = vector.shape_cast %select_n3A : vector<81x2048xf32> to vector<1x81x2048xf32>
    %reduce_sum3A_21 = arith.constant dense<0.000000e+00> : vector<1xf32>
    %reduce_sum3A_22 = vector.multi_reduction <add>, %reduce_sum3A_20, %reduce_sum3A_21 [1, 2] : vector<1x81x2048xf32> to vector<1xf32>
    %reduce_sum3A_23 = vector.shape_cast %reduce_sum3A_22 : vector<1xf32> to vector<1x1x1xf32>
    %reduce_sum3A_24 = vector.extract %reduce_sum3A_23[0, 0, 0] : f32 from vector<1x1x1xf32>
    %jit3A_25 = arith.constant 0.000000e+00 : f32
    %broadcast_in_dim3A_26 = vector.broadcast %jit3A_25 : f32 to vector<2048xf32>
    %select_n3A_27 = arith.select %ne3A_10, %add3A, %broadcast_in_dim3A_26 : vector<2048xi1>, vector<2048xf32>
    %reduce_sum3A_28 = vector.shape_cast %select_n3A_27 : vector<2048xf32> to vector<1x2048xf32>
    %reduce_sum3A_29 = arith.constant dense<0.000000e+00> : vector<1xf32>
    %reduce_sum3A_30 = vector.multi_reduction <add>, %reduce_sum3A_28, %reduce_sum3A_29 [1] : vector<1x2048xf32> to vector<1xf32>
    %reduce_sum3A_31 = vector.shape_cast %reduce_sum3A_30 : vector<1xf32> to vector<1x1xf32>
    %reduce_sum3A_32 = vector.extract %reduce_sum3A_31[0, 0] : f32 from vector<1x1xf32>
    %sub3A_33 = arith.subf %reduce_sum3A_32, %reduce_sum3A_24 : f32
    %slice3A = vector.extract_strided_slice %get3A_3 {offsets = [0, 0], sizes = [1, 2048], strides = [1, 1]} : vector<81x2048xf32> to vector<1x2048xf32>
    %squeeze3A = vector.shape_cast %slice3A : vector<1x2048xf32> to vector<2048xf32>
    %sub3A_34 = arith.subf %add3A, %squeeze3A : vector<2048xf32>
    %jit3A_35 = arith.constant -1.000000e+00 : f32
    %broadcast_in_dim3A_36 = vector.broadcast %jit3A_35 : f32 to vector<2048xf32>
    %select_n3A_37 = arith.select %ne3A_10, %broadcast_in_dim3A_36, %sub3A_34 : vector<2048xi1>, vector<2048xf32>
    %swap3A = arith.index_cast %arg1 : i32 to index
    %swap3A_38 = arith.constant 0 : index
    %swap3A_39 = vector.load %arg5[%swap3A, %swap3A_38] : memref<12x2048xf32, #tpu.memory_space<vmem>>, vector<1x2048xf32>
    %swap3A_40 = vector.shape_cast %swap3A_39 : vector<1x2048xf32> to vector<2048xf32>
    %swap3A_41 = vector.shape_cast %select_n3A_37 : vector<2048xf32> to vector<1x2048xf32>
    tpu.vector_store %arg5[%swap3A, %swap3A_38], %swap3A_41 {strides = array<i32>} : memref<12x2048xf32, #tpu.memory_space<vmem>>, vector<1x2048xf32>,
    %convert_element_type3A = arith.extui %ne3A_10 : vector<2048xi1> to vector<2048xi32>
    %reduce_sum3A_42 = vector.shape_cast %convert_element_type3A : vector<2048xi32> to vector<1x2048xi32>
    %reduce_sum3A_43 = arith.constant dense<0> : vector<1xi32>
    %reduce_sum3A_44 = vector.multi_reduction <add>, %reduce_sum3A_42, %reduce_sum3A_43 [1] : vector<1x2048xi32> to vector<1xi32>
    %reduce_sum3A_45 = vector.shape_cast %reduce_sum3A_44 : vector<1xi32> to vector<1x1xi32>
    %reduce_sum3A_46 = vector.extract %reduce_sum3A_45[0, 0] : i32 from vector<1x1xi32>
    %eq3A_47 = arith.constant 0 : i32
    %eq3A_48 = arith.cmpi eq, %arg0, %eq3A_47 : i32
    %eq3A_49 = arith.constant 0 : i32
    %eq3A_50 = arith.cmpi eq, %arg1, %eq3A_49 : i32
    %and3A_51 = arith.andi %eq3A_48, %eq3A_50 : i1
    %convert_element_type3A_52 = arith.extui %and3A_51 : i1 to i32
    %cond3A = arith.constant 0 : i32
    %cond3A_53 = arith.cmpi ne, %convert_element_type3A_52, %cond3A : i32
    scf.if %cond3A_53 {
      %swap3A_76 = arith.constant 0.000000e+00 : f32
      %swap3A_77 = arith.constant 1 : index
      %swap3A_78 = memref.load %arg6[%swap3A_77] : memref<2xf32, #tpu.memory_space<smem>>
      memref.store %swap3A_76, %arg6[%swap3A_77] : memref<2xf32, #tpu.memory_space<smem>>
    } else {
    }
    %eq3A_54 = arith.constant 0 : i32
    %eq3A_55 = arith.cmpi eq, %arg1, %eq3A_54 : i32
    %convert_element_type3A_56 = arith.extui %eq3A_55 : i1 to i32
    %cond3A_57 = arith.constant 0 : i32
    %cond3A_58 = arith.cmpi ne, %convert_element_type3A_56, %cond3A_57 : i32
    scf.if %cond3A_58 {
      %swap3A_76 = arith.constant 0 : index
      %swap3A_77 = memref.load %arg6[%swap3A_76] : memref<2xf32, #tpu.memory_space<smem>>
      memref.store %sub3A_33, %arg6[%swap3A_76] : memref<2xf32, #tpu.memory_space<smem>>
      %swap3A_78 = arith.constant 0 : index
      %swap3A_79 = memref.load %arg7[%swap3A_78] : memref<1xi32, #tpu.memory_space<smem>>
      memref.store %reduce_sum3A_46, %arg7[%swap3A_78] : memref<1xi32, #tpu.memory_space<smem>>
    } else {
    }
    %gt3A = arith.constant 0 : i32
    %gt3A_59 = arith.cmpi sgt, %arg1, %gt3A : i32
    %convert_element_type3A_60 = arith.extui %gt3A_59 : i1 to i32
    %cond3A_61 = arith.constant 0 : i32
    %cond3A_62 = arith.cmpi ne, %convert_element_type3A_60, %cond3A_61 : i32
    scf.if %cond3A_62 {
      %get3A_76 = arith.constant 0 : index
      %get3A_77 = memref.load %arg6[%get3A_76] : memref<2xf32, #tpu.memory_space<smem>>
      %add3A_78 = arith.addf %get3A_77, %sub3A_33 : f32
      %swap3A_79 = arith.constant 0 : index
      %swap3A_80 = memref.load %arg6[%swap3A_79] : memref<2xf32, #tpu.memory_space<smem>>
      memref.store %add3A_78, %arg6[%swap3A_79] : memref<2xf32, #tpu.memory_space<smem>>
      %get3A_81 = arith.constant 0 : index
      %get3A_82 = memref.load %arg7[%get3A_81] : memref<1xi32, #tpu.memory_space<smem>>
      %add3A_83 = arith.addi %get3A_82, %reduce_sum3A_46 : i32
      %swap3A_84 = arith.constant 0 : index
      %swap3A_85 = memref.load %arg7[%swap3A_84] : memref<1xi32, #tpu.memory_space<smem>>
      memref.store %add3A_83, %arg7[%swap3A_84] : memref<1xi32, #tpu.memory_space<smem>>
    } else {
    }
    %eq3A_63 = arith.constant 11 : i32
    %eq3A_64 = arith.cmpi eq, %arg1, %eq3A_63 : i32
    %convert_element_type3A_65 = arith.extui %eq3A_64 : i1 to i32
    %cond3A_66 = arith.constant 0 : i32
    %cond3A_67 = arith.cmpi ne, %convert_element_type3A_65, %cond3A_66 : i32
    scf.if %cond3A_67 {
      %get3A_76 = arith.constant 0 : index
      %get3A_77 = memref.load %arg7[%get3A_76] : memref<1xi32, #tpu.memory_space<smem>>
      %get3A_78 = arith.constant 0 : index
      %get3A_79 = memref.load %arg6[%get3A_78] : memref<2xf32, #tpu.memory_space<smem>>
      %mul3A = arith.constant 3 : i32
      %mul3A_80 = arith.muli %mul3A, %get3A_77 : i32
      %sub3A_81 = arith.constant 24576 : i32
      %sub3A_82 = arith.subi %sub3A_81, %get3A_77 : i32
      %min3A = arith.minsi %mul3A_80, %sub3A_82 : i32
      %get3A_83 = arith.constant 0 : index
      %get3A_84 = arith.constant 0 : index
      %get3A_85 = vector.load %arg5[%get3A_83, %get3A_84] : memref<12x2048xf32, #tpu.memory_space<vmem>>, vector<12x2048xf32>
      %bitcast_convert_type3A = tpu.bitcast %get3A_85 : vector<12x2048xf32> -> vector<12x2048xi32>
      %scan3A = arith.constant 0 : i32
      %scan3A_86 = arith.constant 0 : i32
      %scan3A_87 = arith.constant 31 : i32
      %scan3A_88 = arith.addi %scan3A_86, %scan3A_87 : i32
      %scan3A_89 = arith.constant 1 : i32
      %scan3A_90 = scf.for %scan3A_129 = %scan3A_86 to %scan3A_88 step %scan3A_89 iter_args(%scan3A_130 = %scan3A) -> (i32)  : i32 {
        %sub3A_131 = arith.constant 30 : i32
        %sub3A_132 = arith.subi %sub3A_131, %scan3A_129 : i32
        %shift_left3A = arith.constant 1 : i32
        %shift_left3A_133 = arith.shli %shift_left3A, %sub3A_132 : i32
        %or3A = arith.ori %scan3A_130, %shift_left3A_133 : i32
        %ge3A = vector.broadcast %or3A : i32 to vector<12x2048xi32>
        %ge3A_134 = arith.cmpi sge, %bitcast_convert_type3A, %ge3A : vector<12x2048xi32>
        %convert_element_type3A_135 = arith.extui %ge3A_134 : vector<12x2048xi1> to vector<12x2048xi32>
        %reduce_sum3A_136 = vector.shape_cast %convert_element_type3A_135 : vector<12x2048xi32> to vector<1x12x2048xi32>
        %reduce_sum3A_137 = arith.constant dense<0> : vector<1xi32>
        %reduce_sum3A_138 = vector.multi_reduction <add>, %reduce_sum3A_136, %reduce_sum3A_137 [1, 2] : vector<1x12x2048xi32> to vector<1xi32>
        %reduce_sum3A_139 = vector.shape_cast %reduce_sum3A_138 : vector<1xi32> to vector<1x1x1xi32>
        %reduce_sum3A_140 = vector.extract %reduce_sum3A_139[0, 0, 0] : i32 from vector<1x1x1xi32>
        %ge3A_141 = arith.cmpi sge, %reduce_sum3A_140, %min3A : i32
        %select_n3A_142 = arith.select %ge3A_141, %or3A, %scan3A_130 : i32
        scf.yield %select_n3A_142 : i32
      }
      %scan3A_91 = arith.constant 31 : i32
      %bitcast_convert_type3A_92 = arith.bitcast %scan3A_90 : i32 to f32
      %gt3A_93 = vector.broadcast %bitcast_convert_type3A_92 : f32 to vector<12x2048xf32>
      %gt3A_94 = arith.cmpf ogt, %get3A_85, %gt3A_93 : vector<12x2048xf32>
      %jit3A_95 = arith.constant 0.000000e+00 : f32
      %broadcast_in_dim3A_96 = vector.broadcast %jit3A_95 : f32 to vector<12x2048xf32>
      %select_n3A_97 = arith.select %gt3A_94, %get3A_85, %broadcast_in_dim3A_96 : vector<12x2048xi1>, vector<12x2048xf32>
      %reduce_sum3A_98 = vector.shape_cast %select_n3A_97 : vector<12x2048xf32> to vector<1x12x2048xf32>
      %reduce_sum3A_99 = arith.constant dense<0.000000e+00> : vector<1xf32>
      %reduce_sum3A_100 = vector.multi_reduction <add>, %reduce_sum3A_98, %reduce_sum3A_99 [1, 2] : vector<1x12x2048xf32> to vector<1xf32>
      %reduce_sum3A_101 = vector.shape_cast %reduce_sum3A_100 : vector<1xf32> to vector<1x1x1xf32>
      %reduce_sum3A_102 = vector.extract %reduce_sum3A_101[0, 0, 0] : f32 from vector<1x1x1xf32>
      %convert_element_type3A_103 = arith.extui %gt3A_94 : vector<12x2048xi1> to vector<12x2048xi32>
      %reduce_sum3A_104 = vector.shape_cast %convert_element_type3A_103 : vector<12x2048xi32> to vector<1x12x2048xi32>
      %reduce_sum3A_105 = arith.constant dense<0> : vector<1xi32>
      %reduce_sum3A_106 = vector.multi_reduction <add>, %reduce_sum3A_104, %reduce_sum3A_105 [1, 2] : vector<1x12x2048xi32> to vector<1xi32>
      %reduce_sum3A_107 = vector.shape_cast %reduce_sum3A_106 : vector<1xi32> to vector<1x1x1xi32>
      %reduce_sum3A_108 = vector.extract %reduce_sum3A_107[0, 0, 0] : i32 from vector<1x1x1xi32>
      %sub3A_109 = arith.subi %min3A, %reduce_sum3A_108 : i32
      %convert_element_type3A_110 = arith.sitofp %sub3A_109 : i32 to f32
      %mul3A_111 = arith.mulf %convert_element_type3A_110, %bitcast_convert_type3A_92 : f32
      %add3A_112 = arith.addf %reduce_sum3A_102, %mul3A_111 : f32
      %gt3A_113 = arith.constant 0 : i32
      %gt3A_114 = arith.cmpi sgt, %min3A, %gt3A_113 : i32
      %jit3A_115 = arith.constant 0.000000e+00 : f32
      %select_n3A_116 = arith.select %gt3A_114, %add3A_112, %jit3A_115 : f32
      %max3A = arith.constant 1 : i32
      %max3A_117 = arith.maxsi %get3A_77, %max3A : i32
      %convert_element_type3A_118 = arith.sitofp %max3A_117 : i32 to f32
      %get3A_119 = arith.constant 1 : index
      %get3A_120 = memref.load %arg6[%get3A_119] : memref<2xf32, #tpu.memory_space<smem>>
      %gt3A_121 = arith.constant 0 : i32
      %gt3A_122 = arith.cmpi sgt, %get3A_77, %gt3A_121 : i32
      %add3A_123 = arith.addf %get3A_79, %select_n3A_116 : f32
      %div3A = arith.divf %add3A_123, %convert_element_type3A_118 : f32
      %jit3A_124 = arith.constant 0.000000e+00 : f32
      %select_n3A_125 = arith.select %gt3A_122, %div3A, %jit3A_124 : f32
      %add3A_126 = arith.addf %get3A_120, %select_n3A_125 : f32
      %swap3A_127 = arith.constant 1 : index
      %swap3A_128 = memref.load %arg6[%swap3A_127] : memref<2xf32, #tpu.memory_space<smem>>
      memref.store %add3A_126, %arg6[%swap3A_127] : memref<2xf32, #tpu.memory_space<smem>>
    } else {
    }
    %eq3A_68 = arith.constant 15 : i32
    %eq3A_69 = arith.cmpi eq, %arg0, %eq3A_68 : i32
    %eq3A_70 = arith.constant 11 : i32
    %eq3A_71 = arith.cmpi eq, %arg1, %eq3A_70 : i32
    %and3A_72 = arith.andi %eq3A_69, %eq3A_71 : i1
    %convert_element_type3A_73 = arith.extui %and3A_72 : i1 to i32
    %cond3A_74 = arith.constant 0 : i32
    %cond3A_75 = arith.cmpi ne, %convert_element_type3A_73, %cond3A_74 : i32
    scf.if %cond3A_75 {
      %get3A_76 = arith.constant 1 : index
      %get3A_77 = memref.load %arg6[%get3A_76] : memref<2xf32, #tpu.memory_space<smem>>
      %swap3A_78 = arith.constant 0 : index
      %swap3A_79 = arith.constant 0 : index
      %swap3A_80 = memref.load %arg4[%swap3A_78, %swap3A_79] : memref<1x1xf32, #tpu.memory_space<smem>>
      memref.store %get3A_77, %arg4[%swap3A_78, %swap3A_79] : memref<1x1xf32, #tpu.memory_space<smem>>
    } else {
    }
    return
  }
  func.func @transform_0(%arg0: i32, %arg1: i32) -> (i32, i32, i32) {
    %c0_i32 = arith.constant 0 : i32
    %c0_i32_0 = arith.constant 0 : i32
    return %arg0, %c0_i32, %arg1 : i32, i32, i32
  }
  func.func @transform_1(%arg0: i32, %arg1: i32) -> (i32, i32, i32) {
    %mul3A = arith.constant 12 : i32
    %mul3A_0 = arith.muli %arg0, %mul3A : i32
    %add3A = arith.addi %mul3A_0, %arg1 : i32
    %c0_i32 = arith.constant 0 : i32
    %c0_i32_1 = arith.constant 0 : i32
    %c0_i32_2 = arith.constant 0 : i32
    return %add3A, %c0_i32, %c0_i32_1 : i32, i32, i32
  }
  func.func @transform_2(%arg0: i32, %arg1: i32) -> (i32, i32) {
    %c0_i32 = arith.constant 0 : i32
    %c0_i32_0 = arith.constant 0 : i32
    %c0_i32_1 = arith.constant 0 : i32
    return %c0_i32, %c0_i32_0 : i32, i32
  }
}

</mosaic_0001>

<sc_bundles>
// kernel: kernel.4.cloned.1.call-start
scs
__scs_entry_jumppad:
0x0: {  	(pc) =	sbr.rel $0x88, $3  }
0x1: {  	(tag) =	ssettag $0x0;
	lr =	simm.s32 $0x1  }
0x2: {  	[smem:$0x3F9D] =	sst lr;
	_ =	strace $0xD0000000  }
0x3: {  	_ = 	snop  }
0x4: {  	_ = 	snop  }
0x5: {  	_ = 	snop  }
0x6: {  	_ = 	snop  }
0x7: {  	_ = 	snop  }
__scs_overlays_trampoline_lowered:
0x8: {  	[smem:$0x3FAC] =	sst s0  }
0x9: {  	[smem:$0x3FAD] =	sst s1  }
0xa: {  	[smem:$0x3FAE] =	sst s2  }
0xb: {  	[smem:$0x3FAF] =	sst s3  }
0xc: {  	[smem:$0x3FB0] =	sst s4  }
0xd: {  	[smem:$0x3FB1] =	sst s5  }
0xe: {  	[smem:$0x3FB2] =	sst s6  }
0xf: {  	[smem:$0x3FB3] =	sst s7  }
0x10: {  	[smem:$0x3FB4] =	sst s8  }
0x11: {  	[smem:$0x3FB5] =	sst s9;
	s0 =	simm.s32 @!p0 $0x0  }
0x12: {  	s1 =	sld [smem:$0x3F9B];
	s0 =	simm.s32 @p0 $0x1  }
0x13: {  	[smem:$0x3FB6] =	sst s0;
	s0 =	simm.s32 @!p1 $0x0  }
0x14: {  	s2 =	sld [smem:$0x3F9A];
	s0 =	simm.s32 @p1 $0x1  }
0x15: {  	[smem:$0x3FB7] =	sst s0;
	s0 =	simm.s32 @!p2 $0x0  }
0x16: {  	s3 =	sld [smem:$0x3FDB];
	s0 =	simm.s32 @p2 $0x1  }
0x17: {  	s4 =	simm.s32 $0x1BF5;
	[smem:$0x3FB9] =	sst s0  }
0x18: {  	s0 =	sld [smem:$0x3F9C];
	_ =	swait.ge [sflag:s4], $0x0  }
0x19: {  	s7 =	sld [smem:$0x3F9D]  }
0x1a: {  	s8 =	sadd.s32 $0xFFFFE003, lr  }
0x1b: {  	s9 =	sadd.s32 $0xFFFFFEF7, lr;
	s5 =	simm.s32 $0xFFFFFFFF;
	p2 =	slt.u32 s8, $0xFFFFF086  }
0x1c: {  	p1 =	slt.u32 s9, $0xF7A;
	s5 =	simm.s32 @!p2 $0x0  }
0x1d: {  	s5 =	simm.s32 @p1 $0x1;
	p0 =	seq.s32 s7, s2  }
0x1e: {  	s7 =	smul.u32 @!p0 $0xF7A, s2;
	p2 =	seq.s32 @!p0 s5, $0x0  }
0x1f: {  	s9 =	smul.u32 $0xF7A, s1;
	s8 =	simm.s32 @!p0 $0x1BF5;
	p2 =	por !p2, p0  }
0x20: {  	[sflag:s8] =	ssyncset.s32 @!p0 $0xFFFFF086;
	s6 =	sadd.s32 @!p0 s3, s7;
	s7 =	simm.s32 @!p0 $0x108  }
0x21: {  	s3 =	sadd.s32 s3, s9;
	s6 =	sadd.s32 @!p0 $0x88, s6;
	s7 =	simm.s32 @p2 $0x1082  }
0x22: {  	[simem:s7], [sflag:s8] =	dma.local @!p0 [hbm:s6], $0xF7A  }
0x23: {  	s9 =	sor.u32 $0xD0000000, s2;
	s6 =	simm.s32 $0x108;
	_ =	swait.ge @!p0 [sflag:s8], $0x0  }
0x24: {  	s3 =	sadd.s32 $0x88, s3;
	s6 =	simm.s32 @!p1 $0x1082;
	[sflag:s4] =	ssyncset.s32 $0xFFFFF086  }
0x25: {  	[simem:s6], [sflag:s4] =	dma.local [hbm:s3], $0xF7A  }
0x26: {  	[smem:$0x3F9D] =	sst s1;
	(tag) =	ssettag s2;
	_ =	strace s9  }
0x27: {  	s1 =	sld [smem:$0x3FAD]  }
0x28: {  	s2 =	sld [smem:$0x3FAE]  }
0x29: {  	s4 =	sld [smem:$0x3FB0]  }
0x2a: {  	p0 =	seq.s32 s5, $0x0;
	s5 =	sld [smem:$0x3FB1]  }
0x2b: {  	s6 =	sld [smem:$0x3FB2]  }
0x2c: {  	s7 =	sld [smem:$0x3FB3]  }
0x2d: {  	s3 =	simm.s32 $0x108;
	s8 =	sld [smem:$0x3FB4]  }
0x2e: {  	s3 =	simm.s32 @!p0 $0x1082;
	s9 =	sld [smem:$0x3FB5]  }
0x2f: {  	lr =	sadd.s32 s0, s3;
	s0 =	sld [smem:$0x3FAC]  }
0x30: {  	s3 =	sld [smem:$0x3FAF]  }
0x31: {  	[smem:$0x3FB8] =	sst s10  }
0x32: {  	s10 =	sld [smem:$0x3FB6];
	_ =	sdelay $0x3  }
0x33: {  	p0 =	seq.s32 s10, $0x1;
	s10 =	sld [smem:$0x3FB8];
	_ =	sdelay $0x3  }
0x34: {  	[smem:$0x3FB8] =	sst s10  }
0x35: {  	s10 =	sld [smem:$0x3FB7];
	_ =	sdelay $0x3  }
0x36: {  	p1 =	seq.s32 s10, $0x1;
	s10 =	sld [smem:$0x3FB8];
	_ =	sdelay $0x3  }
0x37: {  	[smem:$0x3FB8] =	sst s10  }
0x38: {  	s10 =	sld [smem:$0x3FB9]  }
0x39: {  	_ = 	snop;
	(pc) =	sbr.ind lr, $3  }
0x3a: {  	_ = 	snop  }
0x3b: {  	_ = 	snop  }
0x3c: {  	p2 =	seq.s32 s10, $0x1;
	s10 =	sld [smem:$0x3FB8]  }
0x3d: {  	_ =	shalt  }
0x3e: {  	_ =	shalt  }
0x3f: {  	_ =	shalt  }
0x40: {  	_ =	shalt  }
0x41: {  	_ =	shalt  }
0x42: {  	_ =	shalt  }
0x43: {  	_ =	shalt  }
0x44: {  	_ =	shalt  }
0x45: {  	_ =	shalt  }
0x46: {  	_ =	shalt  }
0x47: {  	_ =	shalt  }
0x48: {  	_ =	shalt  }
0x49: {  	_ =	shalt  }
0x4a: {  	_ =	shalt  }
0x4b: {  	_ =	shalt  }
0x4c: {  	_ =	shalt  }
0x4d: {  	_ =	shalt  }
0x4e: {  	_ =	shalt  }
0x4f: {  	_ =	shalt  }
0x50: {  	_ =	shalt  }
0x51: {  	_ =	shalt  }
0x52: {  	_ =	shalt  }
0x53: {  	_ =	shalt  }
0x54: {  	_ =	shalt  }
0x55: {  	_ =	shalt  }
0x56: {  	_ =	shalt  }
0x57: {  	_ =	shalt  }
0x58: {  	_ =	shalt  }
0x59: {  	_ =	shalt  }
0x5a: {  	_ =	shalt  }
0x5b: {  	_ =	shalt  }
0x5c: {  	_ =	shalt  }
0x5d: {  	_ =	shalt  }
0x5e: {  	_ =	shalt  }
0x5f: {  	_ =	shalt  }
0x60: {  	_ =	shalt  }
0x61: {  	_ =	shalt  }
0x62: {  	_ =	shalt  }
0x63: {  	_ =	shalt  }
0x64: {  	_ =	shalt  }
0x65: {  	_ =	shalt  }
0x66: {  	_ =	shalt  }
0x67: {  	_ =	shalt  }
0x68: {  	_ =	shalt  }
0x69: {  	_ =	shalt  }
0x6a: {  	_ =	shalt  }
0x6b: {  	_ =	shalt  }
0x6c: {  	_ =	shalt  }
0x6d: {  	_ =	shalt  }
0x6e: {  	_ =	shalt  }
0x6f: {  	_ =	shalt  }
0x70: {  	_ =	shalt  }
0x71: {  	_ =	shalt  }
0x72: {  	_ =	shalt  }
0x73: {  	_ =	shalt  }
0x74: {  	_ =	shalt  }
0x75: {  	_ =	shalt  }
0x76: {  	_ =	shalt  }
0x77: {  	_ =	shalt  }
0x78: {  	_ =	shalt  }
0x79: {  	_ =	shalt  }
0x7a: {  	_ =	shalt  }
0x7b: {  	_ =	shalt  }
0x7c: {  	_ =	shalt  }
0x7d: {  	_ =	shalt  }
0x7e: {  	_ =	shalt  }
0x7f: {  	_ =	shalt  }
0x80: {  	_ =	shalt  }
0x81: {  	_ =	shalt  }
0x82: {  	_ =	shalt  }
0x83: {  	_ =	shalt  }
0x84: {  	_ =	shalt  }
0x85: {  	_ =	shalt  }
0x86: {  	_ =	shalt  }
0x87: {  	_ =	shalt  }
.Lfunc_end0:
.L_simem_size_0:
called_computation_lowered:
.L_overlay_start_0:
0x88: {  	s2 =	sld [smem:$0x3FD9]  }
0x89: {  	s3 =	sld [smem:$0x3FFE];
	_ =	sdelay $0x1  }
0x8a: {  	s1 =	srdreg.scid  }
0x8b: {  	s0 =	sand.u32 $0x1, s1  }
0x8c: {  	s16 =	sshll.u32 s0, $0xA;
	s2 =	sadd.s32 s3, s2  }
0x8d: {  	s2 =	sadd.s32 s2, s16  }
0x8e: {  	[smem:$0x3FC4] =	sst s2  }
0x8f: {  	_ = 	snop  }
0x90: {  	(tm) =	ssettm $0x1  }
0x91: {  	s17 =	sld [smem:$0x3FFB];
	_ =	sdelay $0x3  }
0x92: {  	_ =	strace s17  }
0x93: {  	s2 =	sld [smem:$0x3FFC];
	_ =	sdelay $0x3  }
0x94: {  	_ =	strace s2  }
0x95: {  	s2 =	sld [smem:$0x3FFD];
	_ =	sdelay $0x3  }
0x96: {  	_ =	strace s2  }
0x97: {  	_ =	strace $0x8FFFFFFF  }
0x98: {  	s18 =	sld [smem:$0x3FDB];
	_ =	sdelay $0x1  }
0x99: {  	s19 =	simm.s32 $_scs_section_size  }
0x9a: {  	s4 =	simm.s32 $_size__tile_overlayer_lowered;
	s5 =	simm.s32 $_tile_overlayer_lowered  }
0x9b: {  	s22 =	simm.s32 $0x1BFF;
	s21 =	sshll.u32 s5, $0x1;
	s2 =	sadd.s32 s19, s18  }
0x9c: {  	s6 =	simm.s32 $0x0;
	s20 =	sshll.u32 s4, $0x1;
	s4 =	sadd.s32 s21, s2  }
0x9d: {  	[timem:s6], [sflag:s22] =	dma.local [hbm:s4], s20  }
0x9e: {  	_ =	swait.ge [sflag:s22], s20  }
0x9f: {  	s3 =	ssub.s32 $0x0, s20;
	[sflag:s22] =	ssyncset.done $0x0  }
0xa0: {  	[sflag:s22] =	ssyncadd.s32 s3;
	_ =	sdelay $0x1  }
0xa1: {  	s23 =	simm.s32 $0x1B8B  }
0xa2: {  	_ =	swait.ge [sflag:s23], $0x1  }
0xa3: {  	[sflag:s23] =	ssyncset.done $0x0  }
0xa4: {  	s25 =	simm.s32 $0x1B8E;
	s24 =	sld [smem:$0x3FFE];
	[sflag:s23] =	ssyncadd.s32 $0xFFFFFFFF  }
0xa5: {  	s26 =	simm.s32 $execute0_lowered;
	[smem:$0x3FD2] =	sst s25  }
0xa6: {  	s4 =	sshll.u32 s26, $0x1;
	_ =	strace $0x80000046;
	[dreg:$0x1] =	wrdreg $0xFFFFFFFF  }
0xa7: {  	s28 =	simm.s32 $_size_execute0_lowered;
	s2 =	sadd.s32 s2, s4;
	[dreg:$0x0] =	wrdreg $0x0  }
0xa8: {  	s4 =	sshll.u32 s28, $0x1;
	[dreg:$0x2] =	wrdreg s2  }
0xa9: {  	[dreg:$0x3] =	wrdreg s4  }
0xaa: {  	[dreg:$0x4] =	wrdreg $0xC0  }
0xab: {  	_ =	task [dreg:s6], $0x5FFFF  }
0xac: {  	[dreg:$0x1] =	wrdreg $0xFFFFFFFF  }
0xad: {  	[dreg:$0x0] =	wrdreg $0x60  }
0xae: {  	[dreg:$0x2] =	wrdreg s24  }
0xaf: {  	[dreg:$0x3] =	wrdreg $0x9  }
0xb0: {  	_ =	task.clear_ibuf [dreg:s6], $0x4FFFF;
	_ =	strace $0x90000046  }
0xb1: {  	s29 =	simm.s32 $0x9;
	_ =	strace $0x80000048  }
0xb2: {  	_ =	swait.ge [sflag:s29], $0x1  }
0xb3: {  	[sflag:s29] =	ssyncadd.s32 $0xFFFFFFFF  }
0xb4: {  	_ =	strace $0x90000048  }
0xb5: {  	_ =	sfence  }
0xb6: {  	s30 =	sld [smem:$0x0];
	_ =	sdelay $0x2  }
0xb7: {  	s31 =	sshll.u32 s1, $0xD;
	s1 =	sshrl.u32 s1, $0x2  }
0xb8: {  	s3 =	sand.u32 $0x4000, s31;
	s1 =	sadd.s32 s1, s30  }
0xb9: {  	s0 =	sor.u32 s3, s0;
	s1 =	sshll.u32 s1, $0x11  }
0xba: {  	s0 =	sor.u32 s1, s0  }
0xbb: {  	s0 =	sadd.s32 $0x8F2B, s0  }
0xbc: {  	[sflag:s0] =	ssyncadd.remote.s32 $0x1  }
0xbd: {  	_ =	sfence.sel $0xFFFF  }
0xbe: {  	[dreg:$0x0] =	wrdreg $0xFFFFFFFF;
	(pc) =	sbr.abs _section_cstart, $3  }
0xbf: {  	[dreg:$0x1] =	wrdreg $0xFFFFFFFF  }
0xc0: {  	_ =	task.clear_ibuf [dreg:s6], $0x2FFFF;
	_ =	strace $0x9FFFFFFF  }
0xc1: {  	(tm) =	ssettm $0x7FFFFFFF  }
tec
execute0_lowered:
.L_overlay_start_1:
0x0: {  	(tag) =	ssettag $0x1  }
0x1: {  	s1 =	srdreg.scid;
	s0 =	stileid.u32  }
0x2: {  	s3 =	sand.u32 $0x1, s1;
	s30 =	sshll.u32 s0, $0x1  }
0x3: {  	s10 =	rddreg [dreg:$0x0];
	s5 =	simm.s32 $0x1;
	s4 =	sor.u32 s3, s30  }
0x4: {  	s2 =	simm.s32 $0x0;
	p0 =	seq.s32 s3, $0x1;
	p1 =	seq.s32 s4, $0x0  }
0x5: {  	s6 =	simm.s32 $0x3000;
	s15 =	simm.s32 $0x18000;
	p1 =	por !p1, !p0  }
0x6: {  	s16 =	simm.s32 $0x1B000;
	s1 =	rddreg [dreg:$0x1];
	p1 =	por !p1, !p1  }
0x7: {  	s17 =	simm.s32 $0x0;
	[smem:$0x7FF] =	sst s2;
	s5 =	simm.s32 @!p1 $0x0  }
0x8: {  	s11 =	sadd.s32 $0x30000, s10;
	_ =	strace $0x80000047;
	s5 =	ssub.s32 s0, s5  }
0x9: {  	s3 =	ssub.s32 $0x2, s3;
	s4 =	sshll.u32 s4, $0x5;
	s5 =	smul.u32 $0x6000, s5  }
0xa: {  	s6 =	simm.s32 @!p0 $0x0;
	s7 =	sshrl.u32 s3, $0x1;
	s13 =	sadd.s32 s4, s10  }
0xb: {  	s14 =	ssub.s32 s3, s7;
	s3 =	simm.s32 $0x1;
	s8 =	sadd.s32 s6, s5  }
0xc: {  	s13 =	sadd.s32 $0x6C000, s13;
	s14 =	smax.u32 s14, $0x1;
	s5 =	sshrl.u32 s8, $0x3  }
0xd: {  	s6 =	sadd.s32 $0x60000, s8;
	s9 =	sadd.s32 $0xC0000, s8;
	s12 =	sadd.s32 $0x120000, s8  }
0xe: {  	s4 =	sadd.s32 s10, s5;
	s5 =	sadd.s32 s11, s5;
	s31 =	sshrl.u32 s6, $0x3  }
0xf: {  	s9 =	sshrl.u32 s9, $0x3;
	s12 =	sshrl.u32 s12, $0x3;
	s6 =	sadd.s32 s10, s31  }
0x10: {  	s7 =	sadd.s32 s11, s31;
	s8 =	sadd.s32 s10, s9;
	s9 =	sadd.s32 s11, s9  }
0x11: {  	v0 =	vimm.s32 $0x0;
	s10 =	sadd.s32 s10, s12;
	s11 =	sadd.s32 s11, s12;
	s12 =	sadd.s32 $0x60000, s4  }
.LBB2_1:
0x12: {  	s18 =	simm.s32 $0x10  }
0x13: {  	s21 =	sadd.s32 $0x0, s4;
	s19 =	simm.s32 $0x200;
	s20 =	simm.s32 $0x0  }
.LBB2_2:
0x14: {  	[tilespmem:s20], [sflag:$0x1] =	stream.linear.gather [hbm4b:s21+s2], $0x80, $0x38;
	[tilespmem:$0x1B100] =	vst v63  }
0x15: {  	s21 =	smov.u32 s18;
	s20 =	smov.u32 s19;
	p0 =	sne.s32 s18, $0x5F0  }
.Ltmp0:
0x16: {  	s18 =	sadd.s32 $0x10, s18;
	(pc) =	sbr.rel @p0 .LBB2_2-.Ltmp0, $2  }
0x17: {  	_ =	sdelay $0x2  }
0x18: {  	s19 =	sadd.s32 $0x200, s19;
	s21 =	sadd.s32 s21, s4  }
0x19: {  	[tilespmem:s20], [sflag:$0x1] =	stream.linear.gather [hbm4b:s21+s2], $0x80, $0x38;
	[tilespmem:$0x1B100] =	vst v63  }
0x1a: {  	_ =	swait.ge [sflag:s3], $0x3000  }
0x1b: {  	s18 =	simm.s32 $0xC000;
	s19 =	simm.s32 $0x10;
	[sflag:s3] =	ssyncset.done $0x0  }
0x1c: {  	s21 =	sadd.s32 $0x0, s5;
	s20 =	simm.s32 $0xC200;
	[sflag:s3] =	ssyncadd.s32 $0xFFFFD000  }
.LBB2_4:
0x1d: {  	[tilespmem:s18], [sflag:$0x1] =	stream.linear.gather [hbm4b:s21+s2], $0x80, $0x38;
	[tilespmem:$0x1B100] =	vst v63  }
0x1e: {  	s21 =	smov.u32 s19;
	s18 =	smov.u32 s20;
	p0 =	sne.s32 s19, $0x5F0  }
.Ltmp1:
0x1f: {  	s19 =	sadd.s32 $0x10, s19;
	(pc) =	sbr.rel @p0 .LBB2_4-.Ltmp1, $2  }
0x20: {  	_ =	sdelay $0x2  }
0x21: {  	s20 =	sadd.s32 $0x200, s20;
	s21 =	sadd.s32 s21, s5  }
0x22: {  	[tilespmem:s18], [sflag:$0x1] =	stream.linear.gather [hbm4b:s21+s2], $0x80, $0x38;
	[tilespmem:$0x1B100] =	vst v63  }
0x23: {  	_ =	swait.ge [sflag:s3], $0x3000  }
0x24: {  	s18 =	simm.s32 $0x80;
	s19 =	simm.s32 $0x10;
	[sflag:s3] =	ssyncset.done $0x0  }
0x25: {  	s21 =	sadd.s32 $0x0, s6;
	s20 =	simm.s32 $0x280;
	[sflag:s3] =	ssyncadd.s32 $0xFFFFD000  }
.LBB2_6:
0x26: {  	[tilespmem:s18], [sflag:$0x1] =	stream.linear.gather [hbm4b:s21+s2], $0x80, $0x38;
	[tilespmem:$0x1B100] =	vst v63  }
0x27: {  	s21 =	smov.u32 s19;
	s18 =	smov.u32 s20;
	p0 =	sne.s32 s19, $0x5F0  }
.Ltmp2:
0x28: {  	s19 =	sadd.s32 $0x10, s19;
	(pc) =	sbr.rel @p0 .LBB2_6-.Ltmp2, $2  }
0x29: {  	_ =	sdelay $0x2  }
0x2a: {  	s20 =	sadd.s32 $0x200, s20;
	s21 =	sadd.s32 s21, s6  }
0x2b: {  	[tilespmem:s18], [sflag:$0x1] =	stream.linear.gather [hbm4b:s21+s2], $0x80, $0x38;
	[tilespmem:$0x1B100] =	vst v63  }
0x2c: {  	_ =	swait.ge [sflag:s3], $0x3000  }
0x2d: {  	s18 =	simm.s32 $0xC080;
	s19 =	simm.s32 $0x10;
	[sflag:s3] =	ssyncset.done $0x0  }
0x2e: {  	s21 =	sadd.s32 $0x0, s7;
	s20 =	simm.s32 $0xC280;
	[sflag:s3] =	ssyncadd.s32 $0xFFFFD000  }
.LBB2_8:
0x2f: {  	[tilespmem:s18], [sflag:$0x1] =	stream.linear.gather [hbm4b:s21+s2], $0x80, $0x38;
	[tilespmem:$0x1B100] =	vst v63  }
0x30: {  	s21 =	smov.u32 s19;
	s18 =	smov.u32 s20;
	p0 =	sne.s32 s19, $0x5F0  }
.Ltmp3:
0x31: {  	s19 =	sadd.s32 $0x10, s19;
	(pc) =	sbr.rel @p0 .LBB2_8-.Ltmp3, $2  }
0x32: {  	_ =	sdelay $0x2  }
0x33: {  	s20 =	sadd.s32 $0x200, s20;
	s21 =	sadd.s32 s21, s7  }
0x34: {  	[tilespmem:s18], [sflag:$0x1] =	stream.linear.gather [hbm4b:s21+s2], $0x80, $0x38;
	[tilespmem:$0x1B100] =	vst v63  }
0x35: {  	_ =	swait.ge [sflag:s3], $0x3000  }
0x36: {  	s18 =	simm.s32 $0x100;
	s19 =	simm.s32 $0x10;
	[sflag:s3] =	ssyncset.done $0x0  }
0x37: {  	s21 =	sadd.s32 $0x0, s8;
	s20 =	simm.s32 $0x300;
	[sflag:s3] =	ssyncadd.s32 $0xFFFFD000  }
.LBB2_10:
0x38: {  	[tilespmem:s18], [sflag:$0x1] =	stream.linear.gather [hbm4b:s21+s2], $0x80, $0x38;
	[tilespmem:$0x1B100] =	vst v63  }
0x39: {  	s21 =	smov.u32 s19;
	s18 =	smov.u32 s20;
	p0 =	sne.s32 s19, $0x5F0  }
.Ltmp4:
0x3a: {  	s19 =	sadd.s32 $0x10, s19;
	(pc) =	sbr.rel @p0 .LBB2_10-.Ltmp4, $2  }
0x3b: {  	_ =	sdelay $0x2  }
0x3c: {  	s20 =	sadd.s32 $0x200, s20;
	s21 =	sadd.s32 s21, s8  }
0x3d: {  	[tilespmem:s18], [sflag:$0x1] =	stream.linear.gather [hbm4b:s21+s2], $0x80, $0x38;
	[tilespmem:$0x1B100] =	vst v63  }
0x3e: {  	_ =	swait.ge [sflag:s3], $0x3000  }
0x3f: {  	s18 =	simm.s32 $0xC100;
	s19 =	simm.s32 $0x10;
	[sflag:s3] =	ssyncset.done $0x0  }
0x40: {  	s21 =	sadd.s32 $0x0, s9;
	s20 =	simm.s32 $0xC300;
	[sflag:s3] =	ssyncadd.s32 $0xFFFFD000  }
.LBB2_12:
0x41: {  	[tilespmem:s18], [sflag:$0x1] =	stream.linear.gather [hbm4b:s21+s2], $0x80, $0x38;
	[tilespmem:$0x1B100] =	vst v63  }
0x42: {  	s21 =	smov.u32 s19;
	s18 =	smov.u32 s20;
	p0 =	sne.s32 s19, $0x5F0  }
.Ltmp5:
0x43: {  	s19 =	sadd.s32 $0x10, s19;
	(pc) =	sbr.rel @p0 .LBB2_12-.Ltmp5, $2  }
0x44: {  	_ =	sdelay $0x2  }
0x45: {  	s20 =	sadd.s32 $0x200, s20;
	s21 =	sadd.s32 s21, s9  }
0x46: {  	[tilespmem:s18], [sflag:$0x1] =	stream.linear.gather [hbm4b:s21+s2], $0x80, $0x38;
	[tilespmem:$0x1B100] =	vst v63  }
0x47: {  	_ =	swait.ge [sflag:s3], $0x3000  }
0x48: {  	s18 =	simm.s32 $0x180;
	s19 =	simm.s32 $0x10;
	[sflag:s3] =	ssyncset.done $0x0  }
0x49: {  	s21 =	sadd.s32 $0x0, s10;
	s20 =	simm.s32 $0x380;
	[sflag:s3] =	ssyncadd.s32 $0xFFFFD000  }
.LBB2_14:
0x4a: {  	[tilespmem:s18], [sflag:$0x1] =	stream.linear.gather [hbm4b:s21+s2], $0x80, $0x38;
	[tilespmem:$0x1B100] =	vst v63  }
0x4b: {  	s21 =	smov.u32 s19;
	s18 =	smov.u32 s20;
	p0 =	sne.s32 s19, $0x5F0  }
.Ltmp6:
0x4c: {  	s19 =	sadd.s32 $0x10, s19;
	(pc) =	sbr.rel @p0 .LBB2_14-.Ltmp6, $2  }
0x4d: {  	_ =	sdelay $0x2  }
0x4e: {  	s20 =	sadd.s32 $0x200, s20;
	s21 =	sadd.s32 s21, s10  }
0x4f: {  	[tilespmem:s18], [sflag:$0x1] =	stream.linear.gather [hbm4b:s21+s2], $0x80, $0x38;
	[tilespmem:$0x1B100] =	vst v63  }
0x50: {  	_ =	swait.ge [sflag:s3], $0x3000  }
0x51: {  	s18 =	simm.s32 $0xC180;
	s19 =	simm.s32 $0x10;
	[sflag:s3] =	ssyncset.done $0x0  }
0x52: {  	s21 =	sadd.s32 $0x0, s11;
	s20 =	simm.s32 $0xC380;
	[sflag:s3] =	ssyncadd.s32 $0xFFFFD000  }
.LBB2_16:
0x53: {  	[tilespmem:s18], [sflag:$0x1] =	stream.linear.gather [hbm4b:s21+s2], $0x80, $0x38;
	[tilespmem:$0x1B100] =	vst v63  }
0x54: {  	s21 =	smov.u32 s19;
	s18 =	smov.u32 s20;
	p0 =	sne.s32 s19, $0x5F0  }
.Ltmp7:
0x55: {  	s19 =	sadd.s32 $0x10, s19;
	(pc) =	sbr.rel @p0 .LBB2_16-.Ltmp7, $2  }
0x56: {  	_ =	sdelay $0x2  }
0x57: {  	s20 =	sadd.s32 $0x200, s20;
	s21 =	sadd.s32 s21, s11  }
0x58: {  	[tilespmem:s18], [sflag:$0x1] =	stream.linear.gather [hbm4b:s21+s2], $0x80, $0x38;
	[tilespmem:$0x1B100] =	vst v63  }
0x59: {  	_ =	swait.ge [sflag:s3], $0x3000  }
0x5a: {  	[sflag:s3] =	ssyncset.done $0x0  }
0x5b: {  	s28 =	simm.s32 $0x0;
	[sflag:s3] =	ssyncadd.s32 $0xFFFFD000  }
0x5c: {  	[tilespmem:s15], [sflag:$0x1] =	stream.linear.gather [hbm4b:s12+s28], $0x3000, $0x38;
	[tilespmem:$0x1B100] =	vst v63  }
0x5d: {  	_ =	swait.ge [sflag:s3], $0x3000  }
0x5e: {  	s20 =	simm.s32 $0x0;
	[sflag:s3] =	ssyncset.done $0x0  }
0x5f: {  	s19 =	sand.u32 $0x70, s28;
	s18 =	sand.u32 $0xFE00, s28;
	[sflag:s3] =	ssyncadd.s32 $0xFFFFD000  }
0x60: {  	s18 =	sor.u32 s19, s18;
	v2 =	vld [tilespmem:s20+$0x18000]  }
0x61: {  	v1 =	vld [tilespmem:s18+$0x180]  }
0x62: {  	v3 =	vld [tilespmem:s18+$0xC180]  }
0x63: {  	v4 =	vld [tilespmem:s18+$0x100]  }
0x64: {  	v5 =	vld [tilespmem:s18+$0xC100]  }
0x65: {  	v6 =	vld [tilespmem:s18+$0x0]  }
0x66: {  	v7 =	vld [tilespmem:s18+$0xC000]  }
0x67: {  	v9 =	vld [tilespmem:s18+$0x80]  }
0x68: {  	v11 =	vld [tilespmem:s18+$0xC080];
	_ =	sdelay $0x2  }
0x69: {  	v8 =	vimm.f32 $0.0e+00;
	s29 =	simm.s32 $0x10;
	s18 =	simm.s32 $0x40;
	v13 =	vsub.f32 v6, v7;
	v3 =	vsub.f32 v1, v3  }
0x6a: {  	s30 =	simm.s32 $0x10;
	s19 =	sand.u32 $0x70, s29;
	s31 =	sand.u32 $0xFE00, s18;
	v1 =	vimm.s32 $0x0;
	vm0 =	vne.s32 v2, $0x0;
	v10 =	vsub.f32 v4, v5  }
0x6b: {  	s19 =	sor.u32 s19, s31;
	v2 =	vld [tilespmem:s30+$0x18000];
	v15 =	vsub.f32 v9, v11;
	v5 =	vmul.f32 $5.000000000e-01, v13;
	v6 =	vand.u32 $0x7FFFFFFF, v3  }
0x6c: {  	v4 =	vld [tilespmem:s19+$0x180];
	v9 =	vand.u32 $0x7FFFFFFF, v13;
	v12 =	vand.u32 $0x7FFFFFFF, v10;
	v11 =	vmul.f32 $5.000000000e-01, v3  }
0x6d: {  	v7 =	vld [tilespmem:s19+$0xC180];
	v18 =	vmul.f32 $5.000000000e-01, v15;
	v17 =	vadd.f32 $-5.000000000e-01, v9;
	v16 =	vmul.f32 v5, v13  }
0x6e: {  	v14 =	vand.u32 $0x7FFFFFFF, v15;
	vm1 =	vlt.f32 v9, $1.000000000e+00;
	v9 =	vld [tilespmem:s19+$0xC100];
	v13 =	vmul.f32 $5.000000000e-01, v10  }
0x6f: {  	s20 =	simm.s32 $0x20;
	v5 =	vld [tilespmem:s19+$0x100];
	v15 =	vmul.f32 v18, v15;
	v17 =	vsel vm1, v16, v17;
	v16 =	vadd.f32 $-5.000000000e-01, v14  }
.LBB2_18:
0x70: {  	p0 =	sne.s32 s20, $0x2FF0;
	v18 =	vld [tilespmem:s19+$0x0];
	v17 =	vnsel vm0, $0x0, v17;
	vm1 =	vlt.f32 v14, $1.000000000e+00;
	v14 =	vadd.f32 $-5.000000000e-01, v12  }
0x71: {  	v10 =	vmul.f32 v13, v10;
	v19 =	vld [tilespmem:s19+$0xC000];
	v8 =	vadd.f32 v17, v8;
	v15 =	vsel vm1, v15, v16  }
0x72: {  	vm1 =	vlt.f32 v12, $1.000000000e+00;
	v12 =	vadd.f32 $-5.000000000e-01, v6;
	v13 =	vld [tilespmem:s19+$0x80];
	v15 =	vnsel vm0, $0x0, v15  }
0x73: {  	v3 =	vmul.f32 v11, v3;
	v10 =	vsel vm1, v10, v14;
	v16 =	vld [tilespmem:s19+$0xC080];
	v8 =	vadd.f32 v15, v8  }
0x74: {  	v11 =	vsel vm0, $0x1, v0;
	vm1 =	vlt.f32 v6, $1.000000000e+00;
	v10 =	vnsel vm0, $0x0, v10  }
0x75: {  	v1 =	vadd.s32 v11, v1;
	v6 =	vadd.f32 v10, v8;
	v8 =	vsel vm1, v3, v12  }
0x76: {  	s18 =	sadd.s32 $0x40, s18;
	v3 =	vsub.f32 v4, v7;
	v14 =	vsub.f32 v18, v19;
	v4 =	vnsel vm0, $0x0, v8  }
0x77: {  	s21 =	sshra.s32 s18, $0x2;
	s22 =	sand.u32 $0xFE00, s18;
	s19 =	sand.u32 $0x70, s20;
	v10 =	vsub.f32 v5, v9;
	vm0 =	vne.s32 v2, $0x0;
	v8 =	vadd.f32 v4, v6  }
.Ltmp8:
0x78: {  	s19 =	sor.u32 s19, s22;
	v6 =	vand.u32 $0x7FFFFFFF, v3;
	v2 =	vld [tilespmem:s21+$0x18000];
	v5 =	vmul.f32 $5.000000000e-01, v14;
	v15 =	vsub.f32 v13, v16;
	(pc) =	sbr.rel @p0 .LBB2_18-.Ltmp8, $4  }
0x79: {  	v12 =	vand.u32 $0x7FFFFFFF, v10;
	v11 =	vmul.f32 $5.000000000e-01, v3;
	v9 =	vand.u32 $0x7FFFFFFF, v14;
	v4 =	vld [tilespmem:s19+$0x180]  }
0x7a: {  	v17 =	vadd.f32 $-5.000000000e-01, v9;
	v7 =	vld [tilespmem:s19+$0xC180];
	v16 =	vmul.f32 v5, v14;
	v18 =	vmul.f32 $5.000000000e-01, v15  }
0x7b: {  	v13 =	vmul.f32 $5.000000000e-01, v10;
	vm1 =	vlt.f32 v9, $1.000000000e+00;
	v14 =	vand.u32 $0x7FFFFFFF, v15;
	v5 =	vld [tilespmem:s19+$0x100]  }
0x7c: {  	s20 =	sadd.s32 $0x10, s20;
	v9 =	vld [tilespmem:s19+$0xC100];
	v17 =	vsel vm1, v16, v17;
	v15 =	vmul.f32 v18, v15;
	v16 =	vadd.f32 $-5.000000000e-01, v14  }
0x7d: {  	v18 =	vld [tilespmem:s19+$0x0];
	v17 =	vnsel vm0, $0x0, v17;
	vm1 =	vlt.f32 v14, $1.000000000e+00;
	v43 =	vadd.f32 $-5.000000000e-01, v12  }
0x7e: {  	v19 =	vld [tilespmem:s19+$0xC000];
	v10 =	vmul.f32 v13, v10;
	vm10 =	vlt.f32 v12, $1.000000000e+00;
	v45 =	vadd.f32 $-5.000000000e-01, v6  }
0x7f: {  	v44 =	vld [tilespmem:s19+$0x80];
	v3 =	vmul.f32 v11, v3;
	vm11 =	vlt.f32 v6, $1.000000000e+00;
	vm12 =	vne.s32 v2, $0x0  }
0x80: {  	v46 =	vld [tilespmem:s19+$0xC080];
	v62 =	vsel vm0, $0x1, v0;
	v8 =	vadd.f32 v17, v8;
	v15 =	vsel vm1, v15, v16  }
0x81: {  	v1 =	vadd.s32 v62, v1;
	v15 =	vnsel vm0, $0x0, v15;
	v10 =	vsel vm10, v10, v43  }
0x82: {  	v3 =	vsel vm11, v3, v45;
	v4 =	vsub.f32 v4, v7;
	v8 =	vadd.f32 v15, v8  }
0x83: {  	v10 =	vnsel vm0, $0x0, v10;
	v3 =	vnsel vm0, $0x0, v3;
	v48 =	vsub.f32 v18, v19  }
0x84: {  	v2 =	vsub.f32 v5, v9;
	v7 =	vand.u32 $0x7FFFFFFF, v4;
	v53 =	vmul.f32 $5.000000000e-01, v4  }
0x85: {  	v47 =	vadd.f32 v10, v8;
	v50 =	vsub.f32 v44, v46;
	v49 =	vmul.f32 $5.000000000e-01, v48  }
0x86: {  	v52 =	vand.u32 $0x7FFFFFFF, v2;
	v57 =	vmul.f32 $5.000000000e-01, v2;
	v51 =	vand.u32 $0x7FFFFFFF, v48  }
0x87: {  	v55 =	vmul.f32 $5.000000000e-01, v50;
	v54 =	vadd.f32 $-5.000000000e-01, v51;
	v5 =	vmul.f32 v49, v48  }
0x88: {  	v3 =	vadd.f32 v3, v47;
	v56 =	vand.u32 $0x7FFFFFFF, v50;
	vm2 =	vlt.f32 v51, $1.000000000e+00  }
0x89: {  	v58 =	vadd.f32 $-5.000000000e-01, v56;
	v6 =	vmul.f32 v55, v50;
	v5 =	vsel vm2, v5, v54  }
0x8a: {  	v59 =	vadd.f32 $-5.000000000e-01, v52;
	vm13 =	vlt.f32 v56, $1.000000000e+00;
	v5 =	vnsel vm12, $0x0, v5  }
0x8b: {  	v2 =	vmul.f32 v57, v2;
	v60 =	vsel vm13, v6, v58;
	v3 =	vadd.f32 v5, v3  }
0x8c: {  	v61 =	vadd.f32 $-5.000000000e-01, v7;
	vm14 =	vlt.f32 v52, $1.000000000e+00;
	v5 =	vnsel vm12, $0x0, v60  }
0x8d: {  	v4 =	vmul.f32 v53, v4;
	v2 =	vsel vm14, v2, v59;
	v3 =	vadd.f32 v5, v3  }
0x8e: {  	v63 =	vsel vm12, $0x1, v0;
	vm15 =	vlt.f32 v7, $1.000000000e+00;
	v2 =	vnsel vm12, $0x0, v2  }
0x8f: {  	v1 =	vadd.s32 v63, v1;
	v2 =	vadd.f32 v2, v3;
	v3 =	vsel vm15, v4, v61  }
0x90: {  	v1 =	vcvt.s32.f32 v1;
	v3 =	vnsel vm12, $0x0, v3  }
0x91: {  	s17 =	sadd.s32 $0x1, s17;
	v2 =	vadd.f32 v3, v2  }
0x92: {  	p0 =	sne.s32 s17, s14;
	[tilespmem:$0x1B080] =	vst v1  }
.Ltmp9:
0x93: {  	[tilespmem:$0x1B000] =	vst v2;
	(pc) =	sbr.rel @p0 .LBB2_1-.Ltmp9, $4  }
0x94: {  	[hbm4b:s13+s2] =	stream.linear.scatter [tilespmem:s16], [sflag:$0x1], $0x100, $0x38;
	[tilespmem:$0x1B100] =	vst v63  }
0x95: {  	_ =	swait.ge [sflag:s3], $0x100  }
0x96: {  	[sflag:s3] =	ssyncset.done $0x0  }
0x97: {  	[sflag:s3] =	ssyncadd.s32 $0xFFFFFF00  }
0x98: {  	_ =	sfence.sel $0x180000  }
0x99: {  	[bflag:$0x0] =	sbarrier.arrive $0xFFFF  }
0x9a: {  	p0 =	sne.s32 s0, $0x0;
	_ =	strace $0x90000047  }
0x9b: {  	s0 =	sadd.s32 @!p0 $0x100000, s1;
	[bflag:$0x2] =	sbarrier.arrive $0xFFFF  }
0x9c: {  	[sflag:s0] =	ssyncadd.tile.s32 @!p0 $0x1;
	_ =	shalt  }
.Lfunc_end2:
_tile_overlayer_lowered:
.L_overlay_start_2:
0x9d: {  	(tag) =	ssettag $0x2  }
0x9e: {  	s0 =	rddreg [dreg:$0x0];
	s2 =	stileid.u32  }
0x9f: {  	s1 =	rddreg [dreg:$0x1];
	p0 =	sne.s32 s2, $0x0  }
0xa0: {  	s3 =	rddreg [dreg:$0x2];
	[bflag:$0x3] =	sbarrier.arrive $0xFFFF;
	s2 =	simm.s32 @!p0 $0x1C01  }
0xa1: {  	[timem:s3], [sflag:s2] =	dma.local @!p0 [hbm:s0], s1  }
0xa2: {  	s0 =	simm.s32 @!p0 $0x1  }
0xa3: {  	_ =	swait.ge @!p0 [sflag:s0], s1  }
0xa4: {  	s1 =	ssub.s32 @!p0 $0x0, s1;
	[sflag:s0] =	ssyncset.done @!p0 $0x0  }
0xa5: {  	[sflag:s0] =	ssyncadd.s32 @!p0 s1  }
0xa6: {  	[bflag:$0x3] =	sbarrier.arrive $0xFFFF  }
0xa7: {  	_ =	shalt  }

</sc_bundles>
